<compile_context>
chip_gen: v7x
topology: tpu7x:2x2x1
jax: 0.10.2.dev20260603
libtpu: 0.0.44.dev20260713+nightly
codegen_flags: <defaults>
</compile_context>

<pallas_src>
import functools

import jax
import jax.numpy as jnp
from jax import lax
from jax.experimental import pallas as pl
from jax.experimental.pallas import tpu as pltpu
from jax.experimental.pallas import tpu_sc as plsc

DIM = 32
POS_DIM = 16

_NC = 2
_NS = 16
_NW = _NC * _NS

_IDX_W = 128

_T_BLK = 1024
_K_UNIT = _T_BLK // _IDX_W


def _sc_gather(table, idx2d, n_rows):
    rows_per_w = n_rows // _NW
    k_per_w = rows_per_w // _IDX_W
    n_chunks = k_per_w // _K_UNIT
    assert n_chunks * _K_UNIT == k_per_w

    mesh = plsc.VectorSubcoreMesh(core_axis_name="c", subcore_axis_name="s")

    @functools.partial(
        pl.kernel,
        mesh=mesh,
        compiler_params=pltpu.CompilerParams(use_tc_tiling_on_sc=False,
                                             needs_layout_passes=False),
        out_type=jax.ShapeDtypeStruct((n_rows, DIM), jnp.float32),
        scratch_types=[
            pltpu.VMEM((k_per_w, _IDX_W), jnp.int32),
            pltpu.VMEM((_K_UNIT, _IDX_W), jnp.int32),
            pltpu.VMEM((_T_BLK, DIM), jnp.float32),
            pltpu.SemaphoreType.DMA,
        ],
    )
    def gather_kernel(table_hbm, idx_hbm, out_hbm, idx_v, pidx_v, rows_v,
                      sem):
        wid = lax.axis_index("s") * _NC + lax.axis_index("c")
        grp_base = wid * k_per_w
        pltpu.sync_copy(idx_hbm.at[pl.ds(grp_base, k_per_w)], idx_v)

        u = lax.iota(jnp.int32, 16)
        kbase = (u & 3) * (_T_BLK // 4) + (u >> 2)

        def chunk_body(it, carry):
            g0 = it * _K_UNIT
            for g in range(_K_UNIT):
                for v in range(8):
                    kv = kbase + (g * 32 + 4 * v)
                    row = g0 + (kv >> 7)
                    col = kv & (_IDX_W - 1)
                    pidx_v[g, pl.ds(16 * v, 16)] = plsc.load_gather(
                        idx_v, [row, col])
            copies = []
            for g in range(_K_UNIT):
                copies.append(
                    pltpu.async_copy(
                        table_hbm.at[pidx_v.at[g]],
                        rows_v.at[pl.ds(g * _IDX_W, _IDX_W)],
                        sem,
                    )
                )
            for c in copies:
                c.wait()
            pltpu.sync_copy(
                rows_v,
                out_hbm.at[pl.ds((grp_base + g0) * _IDX_W, _T_BLK)])
            return carry

        lax.fori_loop(0, n_chunks, chunk_body, 0)

    return gather_kernel(table, idx2d)


def _mlp_concat_kernel(emb_ref, pos_ref, w1t_ref, b1_ref, w2t_ref, b2_ref,
                       out_ref):
    x = pos_ref[0]
    h = jnp.maximum(
        jnp.dot(w1t_ref[...], x, preferred_element_type=jnp.float32)
        + b1_ref[...], 0.0)
    p = jnp.maximum(
        jnp.dot(w2t_ref[...], h, preferred_element_type=jnp.float32)
        + b2_ref[...], 0.0)
    ec = emb_ref[0, 0]
    ect = ec.T
    et = jnp.concatenate(
        [ect[0:DIM], ect[DIM:2 * DIM], ect[2 * DIM:3 * DIM],
         ect[3 * DIM:4 * DIM]], axis=1)
    out_ref[0, 0:DIM, :] = et
    out_ref[0, DIM:2 * DIM, :] = p


def _tc_mlp_concat(emb3, pos3, W1, b1, W2, b2, B, L):
    grid = (L, B // _T_BLK)
    return pl.pallas_call(
        _mlp_concat_kernel,
        grid=grid,
        in_specs=[
            pl.BlockSpec((1, 1, _T_BLK // 4, 128), lambda l, c: (l, c, 0, 0)),
            pl.BlockSpec((1, POS_DIM, _T_BLK), lambda l, c: (l, 0, c)),
            pl.BlockSpec((POS_DIM, POS_DIM), lambda l, c: (0, 0)),
            pl.BlockSpec((POS_DIM, 1), lambda l, c: (0, 0)),
            pl.BlockSpec((DIM, POS_DIM), lambda l, c: (0, 0)),
            pl.BlockSpec((DIM, 1), lambda l, c: (0, 0)),
        ],
        out_specs=pl.BlockSpec((1, 2 * DIM, _T_BLK), lambda l, c: (l, 0, c)),
        out_shape=jax.ShapeDtypeStruct((L, 2 * DIM, B), jnp.float32),
    )(emb3, pos3, W1.T, b1.reshape(POS_DIM, 1), W2.T, b2.reshape(DIM, 1))


def kernel(words, positions, table, W1, b1, W2, b2):
    B, L = words.shape
    n_rows = B * L
    idx2d = words.T.reshape(n_rows // _IDX_W, _IDX_W)
    emb = _sc_gather(table, idx2d, n_rows)
    emb3 = emb.reshape(L, B // _T_BLK, _T_BLK // 4, 128)
    pos3 = positions.transpose(1, 2, 0)
    out_fm = _tc_mlp_concat(emb3, pos3, W1, b1, W2, b2, B, L)
    return out_fm.transpose(2, 0, 1)

# --- scband reference (transcript-rebuilt; emitter-appended) ---
"""Pipeline reference for scband-neighbour-embedding-31001073942554 (READ-ONLY COPY).

The authoritative reference and input builder live on the scoring server;
editing this copy changes nothing except your own understanding.
"""

import jax, jax.numpy as jnp
import numpy as np

VOCAB = 1000000
DIM = 32
B = 16384
L = 50
POS_DIM = 16

def setup_inputs(seed: int = 0) -> dict:
    key = jax.random.key(seed)
    k1, k2, k3, k4, k5 = jax.random.split(key, 5)
    words = jax.random.randint(k1, (B, L), 0, VOCAB, dtype=jnp.int64 if jax.config.jax_enable_x64 else jnp.int32).astype(jnp.int32)
    positions = jax.random.normal(k2, (B, L, POS_DIM), dtype=jnp.float32)
    table = jax.random.normal(k3, (VOCAB, DIM), dtype=jnp.float32) * 0.02
    # Dense stack: layer0 units = DIM // 2, layer1 units = DIM
    u0 = DIM // 2
    W1 = jax.random.normal(k4, (POS_DIM, u0), dtype=jnp.float32) * (1.0 / np.sqrt(POS_DIM))
    b1 = jnp.zeros((u0,), dtype=jnp.float32)
    W2 = jax.random.normal(k5, (u0, DIM), dtype=jnp.float32) * (1.0 / np.sqrt(u0))
    b2 = jnp.zeros((DIM,), dtype=jnp.float32)
    return {"words": words, "positions": positions, "table": table, "W1": W1, "b1": b1, "W2": W2, "b2": b2}

def reference(words, positions, table, W1, b1, W2, b2):
    # Embedding lookup (gather)
    embedding = jnp.take(table, words, axis=0)  # [B, L, DIM]
    # Positions MLP (dropout is identity at inference)
    h = jax.nn.relu(positions @ W1 + b1)
    pos = jax.nn.relu(h @ W2 + b2)  # [B, L, DIM]
    neighbour_embedding = jnp.concatenate([embedding, pos], axis=2)  # [B, L, 2*DIM]
    return neighbour_embedding

if __name__ == "__main__":
    import jax
    _d = setup_inputs()
    print(jax.jit(kernel)(*tuple(_d.values())))

</pallas_src>

<mosaic_0001>
#map = affine_map<(d0, d1) -> (0, 0)>
module attributes {stable_mosaic.version = 14 : i64} {
  func.func @gather_kernel(%arg0: i32, %arg1: i32, %arg2: memref<1000000x32xf32, #tpu.memory_space<hbm>>, %arg3: memref<6400x128xi32, #tpu.memory_space<hbm>>, %arg4: memref<819200x32xf32, #tpu.memory_space<hbm>>, %arg5: memref<200x128xi32, #tpu.memory_space<vmem>>, %arg6: memref<8x128xi32, #tpu.memory_space<vmem>>, %arg7: memref<1024x32xf32, #tpu.memory_space<vmem>>, %arg8: memref<!tpu.dma_semaphore, #tpu.memory_space<semaphore_mem>>) attributes {dimension_semantics = [#tpu.dimension_semantics<core_parallel>, #tpu.dimension_semantics<subcore_parallel>], iteration_bounds = array<i64: 2, 16>, scalar_prefetch = 0 : i64, scratch_operands = 4 : i64, tpu.core_type = #tpu.core_type<sc_vector_subcore>, window_params = [{transform_indices = #map}, {transform_indices = #map}, {transform_indices = #map}]} {
    %mul3A = arith.constant 2 : i32
    %mul3A_0 = arith.muli %arg1, %mul3A : i32
    %add3A = arith.addi %mul3A_0, %arg0 : i32
    %mul3A_1 = arith.constant 200 : i32
    %mul3A_2 = arith.muli %add3A, %mul3A_1 : i32
    "tpu.region"() ({
      %run_scoped3A = tpu.sem_alloc : memref<!tpu.dma_semaphore, #tpu.memory_space<semaphore_mem>>
      %dma_start3A = arith.constant 0 : i32
      %dma_start3A_16 = tpu.memref_slice %arg3[%mul3A_2, %dma_start3A] : memref<6400x128xi32, #tpu.memory_space<hbm>> -> memref<200x128xi32, #tpu.memory_space<hbm>>
      %dma_start3A_17 = arith.constant 0 : i32
      %dma_start3A_18 = tpu.memref_slice %arg3[%mul3A_2, %dma_start3A_17] : memref<6400x128xi32, #tpu.memory_space<hbm>> -> memref<200x128xi32, #tpu.memory_space<hbm>>
      tpu.enqueue_dma source(%dma_start3A_18 : memref<200x128xi32, #tpu.memory_space<hbm>>) target(%arg5 : memref<200x128xi32, #tpu.memory_space<vmem>>) target_semaphore(%run_scoped3A : memref<!tpu.dma_semaphore, #tpu.memory_space<semaphore_mem>>)
      %dma_wait3A = arith.constant 0 : i32
      %dma_wait3A_19 = tpu.memref_slice %arg3[%mul3A_2, %dma_wait3A] : memref<6400x128xi32, #tpu.memory_space<hbm>> -> memref<200x128xi32, #tpu.memory_space<hbm>>
      %dma_wait3A_20 = arith.constant 0 : i32
      %dma_wait3A_21 = tpu.memref_slice %arg3[%mul3A_2, %dma_wait3A_20] : memref<6400x128xi32, #tpu.memory_space<hbm>> -> memref<200x128xi32, #tpu.memory_space<hbm>>
      tpu.wait_dma2 semaphore(%run_scoped3A : memref<!tpu.dma_semaphore, #tpu.memory_space<semaphore_mem>>) src(%dma_wait3A_21 : memref<200x128xi32, #tpu.memory_space<hbm>>) dst(%arg5 : memref<200x128xi32, #tpu.memory_space<vmem>>)
      tpu.yield
    }) : () -> ()
    %iota3A = tpu.iota {dimensions = array<i32: 0>} : vector<16xi32>
    %and3A = arith.constant 3 : i32
    %and3A_3 = vector.broadcast %and3A : i32 to vector<16xi32>
    %and3A_4 = arith.andi %iota3A, %and3A_3 : vector<16xi32>
    %mul3A_5 = arith.constant 256 : i32
    %mul3A_6 = vector.broadcast %mul3A_5 : i32 to vector<16xi32>
    %mul3A_7 = arith.muli %and3A_4, %mul3A_6 : vector<16xi32>
    %shift_right_arithmetic3A = arith.constant 2 : i32
    %shift_right_arithmetic3A_8 = vector.broadcast %shift_right_arithmetic3A : i32 to vector<16xi32>
    %shift_right_arithmetic3A_9 = arith.shrsi %iota3A, %shift_right_arithmetic3A_8 : vector<16xi32>
    %add3A_10 = arith.addi %mul3A_7, %shift_right_arithmetic3A_9 : vector<16xi32>
    %scan3A = arith.constant 0 : i32
    %scan3A_11 = arith.constant 0 : i32
    %scan3A_12 = arith.constant 25 : i32
    %scan3A_13 = arith.addi %scan3A_11, %scan3A_12 : i32
    %scan3A_14 = arith.constant 1 : i32
    scf.for %scan3A_16 = %scan3A_11 to %scan3A_13 step %scan3A_14  : i32 {
      %mul3A_17 = arith.constant 8 : i32
      %mul3A_18 = arith.muli %scan3A_16, %mul3A_17 : i32
      %add3A_19 = arith.constant 0 : i32
      %add3A_20 = vector.broadcast %add3A_19 : i32 to vector<16xi32>
      %add3A_21 = arith.addi %add3A_10, %add3A_20 : vector<16xi32>
      %shift_right_arithmetic3A_22 = arith.constant 7 : i32
      %shift_right_arithmetic3A_23 = vector.broadcast %shift_right_arithmetic3A_22 : i32 to vector<16xi32>
      %shift_right_arithmetic3A_24 = arith.shrsi %add3A_21, %shift_right_arithmetic3A_23 : vector<16xi32>
      %add3A_25 = vector.broadcast %mul3A_18 : i32 to vector<16xi32>
      %add3A_26 = arith.addi %add3A_25, %shift_right_arithmetic3A_24 : vector<16xi32>
      %and3A_27 = arith.constant 127 : i32
      %and3A_28 = vector.broadcast %and3A_27 : i32 to vector<16xi32>
      %and3A_29 = arith.andi %add3A_21, %and3A_28 : vector<16xi32>
      %gather3A = tpu.vector_load_idx %arg5[%add3A_26, %and3A_29] : memref<200x128xi32, #tpu.memory_space<vmem>>[vector<16xi32>, vector<16xi32>], vector<16xi32>,
      %swap3A = arith.constant 0 : i32
      %swap3A_30 = arith.index_cast %swap3A : i32 to index
      %swap3A_31 = arith.constant 0 : index
      %swap3A_32 = tpu.vector_load %arg6[%swap3A_30, %swap3A_31] {strides = array<i32>} : memref<8x128xi32, #tpu.memory_space<vmem>>, vector<16xi32>,
      tpu.vector_store %arg6[%swap3A_30, %swap3A_31], %gather3A {strides = array<i32>} : memref<8x128xi32, #tpu.memory_space<vmem>>, vector<16xi32>,
      %add3A_33 = arith.constant 4 : i32
      %add3A_34 = vector.broadcast %add3A_33 : i32 to vector<16xi32>
      %add3A_35 = arith.addi %add3A_10, %add3A_34 : vector<16xi32>
      %shift_right_arithmetic3A_36 = arith.constant 7 : i32
      %shift_right_arithmetic3A_37 = vector.broadcast %shift_right_arithmetic3A_36 : i32 to vector<16xi32>
      %shift_right_arithmetic3A_38 = arith.shrsi %add3A_35, %shift_right_arithmetic3A_37 : vector<16xi32>
      %add3A_39 = vector.broadcast %mul3A_18 : i32 to vector<16xi32>
      %add3A_40 = arith.addi %add3A_39, %shift_right_arithmetic3A_38 : vector<16xi32>
      %and3A_41 = arith.constant 127 : i32
      %and3A_42 = vector.broadcast %and3A_41 : i32 to vector<16xi32>
      %and3A_43 = arith.andi %add3A_35, %and3A_42 : vector<16xi32>
      %gather3A_44 = tpu.vector_load_idx %arg5[%add3A_40, %and3A_43] : memref<200x128xi32, #tpu.memory_space<vmem>>[vector<16xi32>, vector<16xi32>], vector<16xi32>,
      %swap3A_45 = arith.constant 0 : i32
      %swap3A_46 = arith.index_cast %swap3A_45 : i32 to index
      %swap3A_47 = arith.constant 16 : index
      %swap3A_48 = tpu.vector_load %arg6[%swap3A_46, %swap3A_47] {strides = array<i32>} : memref<8x128xi32, #tpu.memory_space<vmem>>, vector<16xi32>,
      tpu.vector_store %arg6[%swap3A_46, %swap3A_47], %gather3A_44 {strides = array<i32>} : memref<8x128xi32, #tpu.memory_space<vmem>>, vector<16xi32>,
      %add3A_49 = arith.constant 8 : i32
      %add3A_50 = vector.broadcast %add3A_49 : i32 to vector<16xi32>
      %add3A_51 = arith.addi %add3A_10, %add3A_50 : vector<16xi32>
      %shift_right_arithmetic3A_52 = arith.constant 7 : i32
      %shift_right_arithmetic3A_53 = vector.broadcast %shift_right_arithmetic3A_52 : i32 to vector<16xi32>
      %shift_right_arithmetic3A_54 = arith.shrsi %add3A_51, %shift_right_arithmetic3A_53 : vector<16xi32>
      %add3A_55 = vector.broadcast %mul3A_18 : i32 to vector<16xi32>
      %add3A_56 = arith.addi %add3A_55, %shift_right_arithmetic3A_54 : vector<16xi32>
      %and3A_57 = arith.constant 127 : i32
      %and3A_58 = vector.broadcast %and3A_57 : i32 to vector<16xi32>
      %and3A_59 = arith.andi %add3A_51, %and3A_58 : vector<16xi32>
      %gather3A_60 = tpu.vector_load_idx %arg5[%add3A_56, %and3A_59] : memref<200x128xi32, #tpu.memory_space<vmem>>[vector<16xi32>, vector<16xi32>], vector<16xi32>,
      %swap3A_61 = arith.constant 0 : i32
      %swap3A_62 = arith.index_cast %swap3A_61 : i32 to index
      %swap3A_63 = arith.constant 32 : index
      %swap3A_64 = tpu.vector_load %arg6[%swap3A_62, %swap3A_63] {strides = array<i32>} : memref<8x128xi32, #tpu.memory_space<vmem>>, vector<16xi32>,
      tpu.vector_store %arg6[%swap3A_62, %swap3A_63], %gather3A_60 {strides = array<i32>} : memref<8x128xi32, #tpu.memory_space<vmem>>, vector<16xi32>,
      %add3A_65 = arith.constant 12 : i32
      %add3A_66 = vector.broadcast %add3A_65 : i32 to vector<16xi32>
      %add3A_67 = arith.addi %add3A_10, %add3A_66 : vector<16xi32>
      %shift_right_arithmetic3A_68 = arith.constant 7 : i32
      %shift_right_arithmetic3A_69 = vector.broadcast %shift_right_arithmetic3A_68 : i32 to vector<16xi32>
      %shift_right_arithmetic3A_70 = arith.shrsi %add3A_67, %shift_right_arithmetic3A_69 : vector<16xi32>
      %add3A_71 = vector.broadcast %mul3A_18 : i32 to vector<16xi32>
      %add3A_72 = arith.addi %add3A_71, %shift_right_arithmetic3A_70 : vector<16xi32>
      %and3A_73 = arith.constant 127 : i32
      %and3A_74 = vector.broadcast %and3A_73 : i32 to vector<16xi32>
      %and3A_75 = arith.andi %add3A_67, %and3A_74 : vector<16xi32>
      %gather3A_76 = tpu.vector_load_idx %arg5[%add3A_72, %and3A_75] : memref<200x128xi32, #tpu.memory_space<vmem>>[vector<16xi32>, vector<16xi32>], vector<16xi32>,
      %swap3A_77 = arith.constant 0 : i32
      %swap3A_78 = arith.index_cast %swap3A_77 : i32 to index
      %swap3A_79 = arith.constant 48 : index
      %swap3A_80 = tpu.vector_load %arg6[%swap3A_78, %swap3A_79] {strides = array<i32>} : memref<8x128xi32, #tpu.memory_space<vmem>>, vector<16xi32>,
      tpu.vector_store %arg6[%swap3A_78, %swap3A_79], %gather3A_76 {strides = array<i32>} : memref<8x128xi32, #tpu.memory_space<vmem>>, vector<16xi32>,
      %add3A_81 = arith.constant 16 : i32
      %add3A_82 = vector.broadcast %add3A_81 : i32 to vector<16xi32>
      %add3A_83 = arith.addi %add3A_10, %add3A_82 : vector<16xi32>
      %shift_right_arithmetic3A_84 = arith.constant 7 : i32
      %shift_right_arithmetic3A_85 = vector.broadcast %shift_right_arithmetic3A_84 : i32 to vector<16xi32>
      %shift_right_arithmetic3A_86 = arith.shrsi %add3A_83, %shift_right_arithmetic3A_85 : vector<16xi32>
      %add3A_87 = vector.broadcast %mul3A_18 : i32 to vector<16xi32>
      %add3A_88 = arith.addi %add3A_87, %shift_right_arithmetic3A_86 : vector<16xi32>
      %and3A_89 = arith.constant 127 : i32
      %and3A_90 = vector.broadcast %and3A_89 : i32 to vector<16xi32>
      %and3A_91 = arith.andi %add3A_83, %and3A_90 : vector<16xi32>
      %gather3A_92 = tpu.vector_load_idx %arg5[%add3A_88, %and3A_91] : memref<200x128xi32, #tpu.memory_space<vmem>>[vector<16xi32>, vector<16xi32>], vector<16xi32>,
      %swap3A_93 = arith.constant 0 : i32
      %swap3A_94 = arith.index_cast %swap3A_93 : i32 to index
      %swap3A_95 = arith.constant 64 : index
      %swap3A_96 = tpu.vector_load %arg6[%swap3A_94, %swap3A_95] {strides = array<i32>} : memref<8x128xi32, #tpu.memory_space<vmem>>, vector<16xi32>,
      tpu.vector_store %arg6[%swap3A_94, %swap3A_95], %gather3A_92 {strides = array<i32>} : memref<8x128xi32, #tpu.memory_space<vmem>>, vector<16xi32>,
      %add3A_97 = arith.constant 20 : i32
      %add3A_98 = vector.broadcast %add3A_97 : i32 to vector<16xi32>
      %add3A_99 = arith.addi %add3A_10, %add3A_98 : vector<16xi32>
      %shift_right_arithmetic3A_100 = arith.constant 7 : i32
      %shift_right_arithmetic3A_101 = vector.broadcast %shift_right_arithmetic3A_100 : i32 to vector<16xi32>
      %shift_right_arithmetic3A_102 = arith.shrsi %add3A_99, %shift_right_arithmetic3A_101 : vector<16xi32>
      %add3A_103 = vector.broadcast %mul3A_18 : i32 to vector<16xi32>
      %add3A_104 = arith.addi %add3A_103, %shift_right_arithmetic3A_102 : vector<16xi32>
      %and3A_105 = arith.constant 127 : i32
      %and3A_106 = vector.broadcast %and3A_105 : i32 to vector<16xi32>
      %and3A_107 = arith.andi %add3A_99, %and3A_106 : vector<16xi32>
      %gather3A_108 = tpu.vector_load_idx %arg5[%add3A_104, %and3A_107] : memref<200x128xi32, #tpu.memory_space<vmem>>[vector<16xi32>, vector<16xi32>], vector<16xi32>,
      %swap3A_109 = arith.constant 0 : i32
      %swap3A_110 = arith.index_cast %swap3A_109 : i32 to index
      %swap3A_111 = arith.constant 80 : index
      %swap3A_112 = tpu.vector_load %arg6[%swap3A_110, %swap3A_111] {strides = array<i32>} : memref<8x128xi32, #tpu.memory_space<vmem>>, vector<16xi32>,
      tpu.vector_store %arg6[%swap3A_110, %swap3A_111], %gather3A_108 {strides = array<i32>} : memref<8x128xi32, #tpu.memory_space<vmem>>, vector<16xi32>,
      %add3A_113 = arith.constant 24 : i32
      %add3A_114 = vector.broadcast %add3A_113 : i32 to vector<16xi32>
      %add3A_115 = arith.addi %add3A_10, %add3A_114 : vector<16xi32>
      %shift_right_arithmetic3A_116 = arith.constant 7 : i32
      %shift_right_arithmetic3A_117 = vector.broadcast %shift_right_arithmetic3A_116 : i32 to vector<16xi32>
      %shift_right_arithmetic3A_118 = arith.shrsi %add3A_115, %shift_right_arithmetic3A_117 : vector<16xi32>
      %add3A_119 = vector.broadcast %mul3A_18 : i32 to vector<16xi32>
      %add3A_120 = arith.addi %add3A_119, %shift_right_arithmetic3A_118 : vector<16xi32>
      %and3A_121 = arith.constant 127 : i32
      %and3A_122 = vector.broadcast %and3A_121 : i32 to vector<16xi32>
      %and3A_123 = arith.andi %add3A_115, %and3A_122 : vector<16xi32>
      %gather3A_124 = tpu.vector_load_idx %arg5[%add3A_120, %and3A_123] : memref<200x128xi32, #tpu.memory_space<vmem>>[vector<16xi32>, vector<16xi32>], vector<16xi32>,
      %swap3A_125 = arith.constant 0 : i32
      %swap3A_126 = arith.index_cast %swap3A_125 : i32 to index
      %swap3A_127 = arith.constant 96 : index
      %swap3A_128 = tpu.vector_load %arg6[%swap3A_126, %swap3A_127] {strides = array<i32>} : memref<8x128xi32, #tpu.memory_space<vmem>>, vector<16xi32>,
      tpu.vector_store %arg6[%swap3A_126, %swap3A_127], %gather3A_124 {strides = array<i32>} : memref<8x128xi32, #tpu.memory_space<vmem>>, vector<16xi32>,
      %add3A_129 = arith.constant 28 : i32
      %add3A_130 = vector.broadcast %add3A_129 : i32 to vector<16xi32>
      %add3A_131 = arith.addi %add3A_10, %add3A_130 : vector<16xi32>
      %shift_right_arithmetic3A_132 = arith.constant 7 : i32
      %shift_right_arithmetic3A_133 = vector.broadcast %shift_right_arithmetic3A_132 : i32 to vector<16xi32>
      %shift_right_arithmetic3A_134 = arith.shrsi %add3A_131, %shift_right_arithmetic3A_133 : vector<16xi32>
      %add3A_135 = vector.broadcast %mul3A_18 : i32 to vector<16xi32>
      %add3A_136 = arith.addi %add3A_135, %shift_right_arithmetic3A_134 : vector<16xi32>
      %and3A_137 = arith.constant 127 : i32
      %and3A_138 = vector.broadcast %and3A_137 : i32 to vector<16xi32>
      %and3A_139 = arith.andi %add3A_131, %and3A_138 : vector<16xi32>
      %gather3A_140 = tpu.vector_load_idx %arg5[%add3A_136, %and3A_139] : memref<200x128xi32, #tpu.memory_space<vmem>>[vector<16xi32>, vector<16xi32>], vector<16xi32>,
      %swap3A_141 = arith.constant 0 : i32
      %swap3A_142 = arith.index_cast %swap3A_141 : i32 to index
      %swap3A_143 = arith.constant 112 : index
      %swap3A_144 = tpu.vector_load %arg6[%swap3A_142, %swap3A_143] {strides = array<i32>} : memref<8x128xi32, #tpu.memory_space<vmem>>, vector<16xi32>,
      tpu.vector_store %arg6[%swap3A_142, %swap3A_143], %gather3A_140 {strides = array<i32>} : memref<8x128xi32, #tpu.memory_space<vmem>>, vector<16xi32>,
      %add3A_145 = arith.constant 32 : i32
      %add3A_146 = vector.broadcast %add3A_145 : i32 to vector<16xi32>
      %add3A_147 = arith.addi %add3A_10, %add3A_146 : vector<16xi32>
      %shift_right_arithmetic3A_148 = arith.constant 7 : i32
      %shift_right_arithmetic3A_149 = vector.broadcast %shift_right_arithmetic3A_148 : i32 to vector<16xi32>
      %shift_right_arithmetic3A_150 = arith.shrsi %add3A_147, %shift_right_arithmetic3A_149 : vector<16xi32>
      %add3A_151 = vector.broadcast %mul3A_18 : i32 to vector<16xi32>
      %add3A_152 = arith.addi %add3A_151, %shift_right_arithmetic3A_150 : vector<16xi32>
      %and3A_153 = arith.constant 127 : i32
      %and3A_154 = vector.broadcast %and3A_153 : i32 to vector<16xi32>
      %and3A_155 = arith.andi %add3A_147, %and3A_154 : vector<16xi32>
      %gather3A_156 = tpu.vector_load_idx %arg5[%add3A_152, %and3A_155] : memref<200x128xi32, #tpu.memory_space<vmem>>[vector<16xi32>, vector<16xi32>], vector<16xi32>,
      %swap3A_157 = arith.constant 1 : i32
      %swap3A_158 = arith.index_cast %swap3A_157 : i32 to index
      %swap3A_159 = arith.constant 0 : index
      %swap3A_160 = tpu.vector_load %arg6[%swap3A_158, %swap3A_159] {strides = array<i32>} : memref<8x128xi32, #tpu.memory_space<vmem>>, vector<16xi32>,
      tpu.vector_store %arg6[%swap3A_158, %swap3A_159], %gather3A_156 {strides = array<i32>} : memref<8x128xi32, #tpu.memory_space<vmem>>, vector<16xi32>,
      %add3A_161 = arith.constant 36 : i32
      %add3A_162 = vector.broadcast %add3A_161 : i32 to vector<16xi32>
      %add3A_163 = arith.addi %add3A_10, %add3A_162 : vector<16xi32>
      %shift_right_arithmetic3A_164 = arith.constant 7 : i32
      %shift_right_arithmetic3A_165 = vector.broadcast %shift_right_arithmetic3A_164 : i32 to vector<16xi32>
      %shift_right_arithmetic3A_166 = arith.shrsi %add3A_163, %shift_right_arithmetic3A_165 : vector<16xi32>
      %add3A_167 = vector.broadcast %mul3A_18 : i32 to vector<16xi32>
      %add3A_168 = arith.addi %add3A_167, %shift_right_arithmetic3A_166 : vector<16xi32>
      %and3A_169 = arith.constant 127 : i32
      %and3A_170 = vector.broadcast %and3A_169 : i32 to vector<16xi32>
      %and3A_171 = arith.andi %add3A_163, %and3A_170 : vector<16xi32>
      %gather3A_172 = tpu.vector_load_idx %arg5[%add3A_168, %and3A_171] : memref<200x128xi32, #tpu.memory_space<vmem>>[vector<16xi32>, vector<16xi32>], vector<16xi32>,
      %swap3A_173 = arith.constant 1 : i32
      %swap3A_174 = arith.index_cast %swap3A_173 : i32 to index
      %swap3A_175 = arith.constant 16 : index
      %swap3A_176 = tpu.vector_load %arg6[%swap3A_174, %swap3A_175] {strides = array<i32>} : memref<8x128xi32, #tpu.memory_space<vmem>>, vector<16xi32>,
      tpu.vector_store %arg6[%swap3A_174, %swap3A_175], %gather3A_172 {strides = array<i32>} : memref<8x128xi32, #tpu.memory_space<vmem>>, vector<16xi32>,
      %add3A_177 = arith.constant 40 : i32
      %add3A_178 = vector.broadcast %add3A_177 : i32 to vector<16xi32>
      %add3A_179 = arith.addi %add3A_10, %add3A_178 : vector<16xi32>
      %shift_right_arithmetic3A_180 = arith.constant 7 : i32
      %shift_right_arithmetic3A_181 = vector.broadcast %shift_right_arithmetic3A_180 : i32 to vector<16xi32>
      %shift_right_arithmetic3A_182 = arith.shrsi %add3A_179, %shift_right_arithmetic3A_181 : vector<16xi32>
      %add3A_183 = vector.broadcast %mul3A_18 : i32 to vector<16xi32>
      %add3A_184 = arith.addi %add3A_183, %shift_right_arithmetic3A_182 : vector<16xi32>
      %and3A_185 = arith.constant 127 : i32
      %and3A_186 = vector.broadcast %and3A_185 : i32 to vector<16xi32>
      %and3A_187 = arith.andi %add3A_179, %and3A_186 : vector<16xi32>
      %gather3A_188 = tpu.vector_load_idx %arg5[%add3A_184, %and3A_187] : memref<200x128xi32, #tpu.memory_space<vmem>>[vector<16xi32>, vector<16xi32>], vector<16xi32>,
      %swap3A_189 = arith.constant 1 : i32
      %swap3A_190 = arith.index_cast %swap3A_189 : i32 to index
      %swap3A_191 = arith.constant 32 : index
      %swap3A_192 = tpu.vector_load %arg6[%swap3A_190, %swap3A_191] {strides = array<i32>} : memref<8x128xi32, #tpu.memory_space<vmem>>, vector<16xi32>,
      tpu.vector_store %arg6[%swap3A_190, %swap3A_191], %gather3A_188 {strides = array<i32>} : memref<8x128xi32, #tpu.memory_space<vmem>>, vector<16xi32>,
      %add3A_193 = arith.constant 44 : i32
      %add3A_194 = vector.broadcast %add3A_193 : i32 to vector<16xi32>
      %add3A_195 = arith.addi %add3A_10, %add3A_194 : vector<16xi32>
      %shift_right_arithmetic3A_196 = arith.constant 7 : i32
      %shift_right_arithmetic3A_197 = vector.broadcast %shift_right_arithmetic3A_196 : i32 to vector<16xi32>
      %shift_right_arithmetic3A_198 = arith.shrsi %add3A_195, %shift_right_arithmetic3A_197 : vector<16xi32>
      %add3A_199 = vector.broadcast %mul3A_18 : i32 to vector<16xi32>
      %add3A_200 = arith.addi %add3A_199, %shift_right_arithmetic3A_198 : vector<16xi32>
      %and3A_201 = arith.constant 127 : i32
      %and3A_202 = vector.broadcast %and3A_201 : i32 to vector<16xi32>
      %and3A_203 = arith.andi %add3A_195, %and3A_202 : vector<16xi32>
      %gather3A_204 = tpu.vector_load_idx %arg5[%add3A_200, %and3A_203] : memref<200x128xi32, #tpu.memory_space<vmem>>[vector<16xi32>, vector<16xi32>], vector<16xi32>,
      %swap3A_205 = arith.constant 1 : i32
      %swap3A_206 = arith.index_cast %swap3A_205 : i32 to index
      %swap3A_207 = arith.constant 48 : index
      %swap3A_208 = tpu.vector_load %arg6[%swap3A_206, %swap3A_207] {strides = array<i32>} : memref<8x128xi32, #tpu.memory_space<vmem>>, vector<16xi32>,
      tpu.vector_store %arg6[%swap3A_206, %swap3A_207], %gather3A_204 {strides = array<i32>} : memref<8x128xi32, #tpu.memory_space<vmem>>, vector<16xi32>,
      %add3A_209 = arith.constant 48 : i32
      %add3A_210 = vector.broadcast %add3A_209 : i32 to vector<16xi32>
      %add3A_211 = arith.addi %add3A_10, %add3A_210 : vector<16xi32>
      %shift_right_arithmetic3A_212 = arith.constant 7 : i32
      %shift_right_arithmetic3A_213 = vector.broadcast %shift_right_arithmetic3A_212 : i32 to vector<16xi32>
      %shift_right_arithmetic3A_214 = arith.shrsi %add3A_211, %shift_right_arithmetic3A_213 : vector<16xi32>
      %add3A_215 = vector.broadcast %mul3A_18 : i32 to vector<16xi32>
      %add3A_216 = arith.addi %add3A_215, %shift_right_arithmetic3A_214 : vector<16xi32>
      %and3A_217 = arith.constant 127 : i32
      %and3A_218 = vector.broadcast %and3A_217 : i32 to vector<16xi32>
      %and3A_219 = arith.andi %add3A_211, %and3A_218 : vector<16xi32>
      %gather3A_220 = tpu.vector_load_idx %arg5[%add3A_216, %and3A_219] : memref<200x128xi32, #tpu.memory_space<vmem>>[vector<16xi32>, vector<16xi32>], vector<16xi32>,
      %swap3A_221 = arith.constant 1 : i32
      %swap3A_222 = arith.index_cast %swap3A_221 : i32 to index
      %swap3A_223 = arith.constant 64 : index
      %swap3A_224 = tpu.vector_load %arg6[%swap3A_222, %swap3A_223] {strides = array<i32>} : memref<8x128xi32, #tpu.memory_space<vmem>>, vector<16xi32>,
      tpu.vector_store %arg6[%swap3A_222, %swap3A_223], %gather3A_220 {strides = array<i32>} : memref<8x128xi32, #tpu.memory_space<vmem>>, vector<16xi32>,
      %add3A_225 = arith.constant 52 : i32
      %add3A_226 = vector.broadcast %add3A_225 : i32 to vector<16xi32>
      %add3A_227 = arith.addi %add3A_10, %add3A_226 : vector<16xi32>
      %shift_right_arithmetic3A_228 = arith.constant 7 : i32
      %shift_right_arithmetic3A_229 = vector.broadcast %shift_right_arithmetic3A_228 : i32 to vector<16xi32>
      %shift_right_arithmetic3A_230 = arith.shrsi %add3A_227, %shift_right_arithmetic3A_229 : vector<16xi32>
      %add3A_231 = vector.broadcast %mul3A_18 : i32 to vector<16xi32>
      %add3A_232 = arith.addi %add3A_231, %shift_right_arithmetic3A_230 : vector<16xi32>
      %and3A_233 = arith.constant 127 : i32
      %and3A_234 = vector.broadcast %and3A_233 : i32 to vector<16xi32>
      %and3A_235 = arith.andi %add3A_227, %and3A_234 : vector<16xi32>
      %gather3A_236 = tpu.vector_load_idx %arg5[%add3A_232, %and3A_235] : memref<200x128xi32, #tpu.memory_space<vmem>>[vector<16xi32>, vector<16xi32>], vector<16xi32>,
      %swap3A_237 = arith.constant 1 : i32
      %swap3A_238 = arith.index_cast %swap3A_237 : i32 to index
      %swap3A_239 = arith.constant 80 : index
      %swap3A_240 = tpu.vector_load %arg6[%swap3A_238, %swap3A_239] {strides = array<i32>} : memref<8x128xi32, #tpu.memory_space<vmem>>, vector<16xi32>,
      tpu.vector_store %arg6[%swap3A_238, %swap3A_239], %gather3A_236 {strides = array<i32>} : memref<8x128xi32, #tpu.memory_space<vmem>>, vector<16xi32>,
      %add3A_241 = arith.constant 56 : i32
      %add3A_242 = vector.broadcast %add3A_241 : i32 to vector<16xi32>
      %add3A_243 = arith.addi %add3A_10, %add3A_242 : vector<16xi32>
      %shift_right_arithmetic3A_244 = arith.constant 7 : i32
      %shift_right_arithmetic3A_245 = vector.broadcast %shift_right_arithmetic3A_244 : i32 to vector<16xi32>
      %shift_right_arithmetic3A_246 = arith.shrsi %add3A_243, %shift_right_arithmetic3A_245 : vector<16xi32>
      %add3A_247 = vector.broadcast %mul3A_18 : i32 to vector<16xi32>
      %add3A_248 = arith.addi %add3A_247, %shift_right_arithmetic3A_246 : vector<16xi32>
      %and3A_249 = arith.constant 127 : i32
      %and3A_250 = vector.broadcast %and3A_249 : i32 to vector<16xi32>
      %and3A_251 = arith.andi %add3A_243, %and3A_250 : vector<16xi32>
      %gather3A_252 = tpu.vector_load_idx %arg5[%add3A_248, %and3A_251] : memref<200x128xi32, #tpu.memory_space<vmem>>[vector<16xi32>, vector<16xi32>], vector<16xi32>,
      %swap3A_253 = arith.constant 1 : i32
      %swap3A_254 = arith.index_cast %swap3A_253 : i32 to index
      %swap3A_255 = arith.constant 96 : index
      %swap3A_256 = tpu.vector_load %arg6[%swap3A_254, %swap3A_255] {strides = array<i32>} : memref<8x128xi32, #tpu.memory_space<vmem>>, vector<16xi32>,
      tpu.vector_store %arg6[%swap3A_254, %swap3A_255], %gather3A_252 {strides = array<i32>} : memref<8x128xi32, #tpu.memory_space<vmem>>, vector<16xi32>,
      %add3A_257 = arith.constant 60 : i32
      %add3A_258 = vector.broadcast %add3A_257 : i32 to vector<16xi32>
      %add3A_259 = arith.addi %add3A_10, %add3A_258 : vector<16xi32>
      %shift_right_arithmetic3A_260 = arith.constant 7 : i32
      %shift_right_arithmetic3A_261 = vector.broadcast %shift_right_arithmetic3A_260 : i32 to vector<16xi32>
      %shift_right_arithmetic3A_262 = arith.shrsi %add3A_259, %shift_right_arithmetic3A_261 : vector<16xi32>
      %add3A_263 = vector.broadcast %mul3A_18 : i32 to vector<16xi32>
      %add3A_264 = arith.addi %add3A_263, %shift_right_arithmetic3A_262 : vector<16xi32>
      %and3A_265 = arith.constant 127 : i32
      %and3A_266 = vector.broadcast %and3A_265 : i32 to vector<16xi32>
      %and3A_267 = arith.andi %add3A_259, %and3A_266 : vector<16xi32>
      %gather3A_268 = tpu.vector_load_idx %arg5[%add3A_264, %and3A_267] : memref<200x128xi32, #tpu.memory_space<vmem>>[vector<16xi32>, vector<16xi32>], vector<16xi32>,
      %swap3A_269 = arith.constant 1 : i32
      %swap3A_270 = arith.index_cast %swap3A_269 : i32 to index
      %swap3A_271 = arith.constant 112 : index
      %swap3A_272 = tpu.vector_load %arg6[%swap3A_270, %swap3A_271] {strides = array<i32>} : memref<8x128xi32, #tpu.memory_space<vmem>>, vector<16xi32>,
      tpu.vector_store %arg6[%swap3A_270, %swap3A_271], %gather3A_268 {strides = array<i32>} : memref<8x128xi32, #tpu.memory_space<vmem>>, vector<16xi32>,
      %add3A_273 = arith.constant 64 : i32
      %add3A_274 = vector.broadcast %add3A_273 : i32 to vector<16xi32>
      %add3A_275 = arith.addi %add3A_10, %add3A_274 : vector<16xi32>
      %shift_right_arithmetic3A_276 = arith.constant 7 : i32
      %shift_right_arithmetic3A_277 = vector.broadcast %shift_right_arithmetic3A_276 : i32 to vector<16xi32>
      %shift_right_arithmetic3A_278 = arith.shrsi %add3A_275, %shift_right_arithmetic3A_277 : vector<16xi32>
      %add3A_279 = vector.broadcast %mul3A_18 : i32 to vector<16xi32>
      %add3A_280 = arith.addi %add3A_279, %shift_right_arithmetic3A_278 : vector<16xi32>
      %and3A_281 = arith.constant 127 : i32
      %and3A_282 = vector.broadcast %and3A_281 : i32 to vector<16xi32>
      %and3A_283 = arith.andi %add3A_275, %and3A_282 : vector<16xi32>
      %gather3A_284 = tpu.vector_load_idx %arg5[%add3A_280, %and3A_283] : memref<200x128xi32, #tpu.memory_space<vmem>>[vector<16xi32>, vector<16xi32>], vector<16xi32>,
      %swap3A_285 = arith.constant 2 : i32
      %swap3A_286 = arith.index_cast %swap3A_285 : i32 to index
      %swap3A_287 = arith.constant 0 : index
      %swap3A_288 = tpu.vector_load %arg6[%swap3A_286, %swap3A_287] {strides = array<i32>} : memref<8x128xi32, #tpu.memory_space<vmem>>, vector<16xi32>,
      tpu.vector_store %arg6[%swap3A_286, %swap3A_287], %gather3A_284 {strides = array<i32>} : memref<8x128xi32, #tpu.memory_space<vmem>>, vector<16xi32>,
      %add3A_289 = arith.constant 68 : i32
      %add3A_290 = vector.broadcast %add3A_289 : i32 to vector<16xi32>
      %add3A_291 = arith.addi %add3A_10, %add3A_290 : vector<16xi32>
      %shift_right_arithmetic3A_292 = arith.constant 7 : i32
      %shift_right_arithmetic3A_293 = vector.broadcast %shift_right_arithmetic3A_292 : i32 to vector<16xi32>
      %shift_right_arithmetic3A_294 = arith.shrsi %add3A_291, %shift_right_arithmetic3A_293 : vector<16xi32>
      %add3A_295 = vector.broadcast %mul3A_18 : i32 to vector<16xi32>
      %add3A_296 = arith.addi %add3A_295, %shift_right_arithmetic3A_294 : vector<16xi32>
      %and3A_297 = arith.constant 127 : i32
      %and3A_298 = vector.broadcast %and3A_297 : i32 to vector<16xi32>
      %and3A_299 = arith.andi %add3A_291, %and3A_298 : vector<16xi32>
      %gather3A_300 = tpu.vector_load_idx %arg5[%add3A_296, %and3A_299] : memref<200x128xi32, #tpu.memory_space<vmem>>[vector<16xi32>, vector<16xi32>], vector<16xi32>,
      %swap3A_301 = arith.constant 2 : i32
      %swap3A_302 = arith.index_cast %swap3A_301 : i32 to index
      %swap3A_303 = arith.constant 16 : index
      %swap3A_304 = tpu.vector_load %arg6[%swap3A_302, %swap3A_303] {strides = array<i32>} : memref<8x128xi32, #tpu.memory_space<vmem>>, vector<16xi32>,
      tpu.vector_store %arg6[%swap3A_302, %swap3A_303], %gather3A_300 {strides = array<i32>} : memref<8x128xi32, #tpu.memory_space<vmem>>, vector<16xi32>,
      %add3A_305 = arith.constant 72 : i32
      %add3A_306 = vector.broadcast %add3A_305 : i32 to vector<16xi32>
      %add3A_307 = arith.addi %add3A_10, %add3A_306 : vector<16xi32>
      %shift_right_arithmetic3A_308 = arith.constant 7 : i32
      %shift_right_arithmetic3A_309 = vector.broadcast %shift_right_arithmetic3A_308 : i32 to vector<16xi32>
      %shift_right_arithmetic3A_310 = arith.shrsi %add3A_307, %shift_right_arithmetic3A_309 : vector<16xi32>
      %add3A_311 = vector.broadcast %mul3A_18 : i32 to vector<16xi32>
      %add3A_312 = arith.addi %add3A_311, %shift_right_arithmetic3A_310 : vector<16xi32>
      %and3A_313 = arith.constant 127 : i32
      %and3A_314 = vector.broadcast %and3A_313 : i32 to vector<16xi32>
      %and3A_315 = arith.andi %add3A_307, %and3A_314 : vector<16xi32>
      %gather3A_316 = tpu.vector_load_idx %arg5[%add3A_312, %and3A_315] : memref<200x128xi32, #tpu.memory_space<vmem>>[vector<16xi32>, vector<16xi32>], vector<16xi32>,
      %swap3A_317 = arith.constant 2 : i32
      %swap3A_318 = arith.index_cast %swap3A_317 : i32 to index
      %swap3A_319 = arith.constant 32 : index
      %swap3A_320 = tpu.vector_load %arg6[%swap3A_318, %swap3A_319] {strides = array<i32>} : memref<8x128xi32, #tpu.memory_space<vmem>>, vector<16xi32>,
      tpu.vector_store %arg6[%swap3A_318, %swap3A_319], %gather3A_316 {strides = array<i32>} : memref<8x128xi32, #tpu.memory_space<vmem>>, vector<16xi32>,
      %add3A_321 = arith.constant 76 : i32
      %add3A_322 = vector.broadcast %add3A_321 : i32 to vector<16xi32>
      %add3A_323 = arith.addi %add3A_10, %add3A_322 : vector<16xi32>
      %shift_right_arithmetic3A_324 = arith.constant 7 : i32
      %shift_right_arithmetic3A_325 = vector.broadcast %shift_right_arithmetic3A_324 : i32 to vector<16xi32>
      %shift_right_arithmetic3A_326 = arith.shrsi %add3A_323, %shift_right_arithmetic3A_325 : vector<16xi32>
      %add3A_327 = vector.broadcast %mul3A_18 : i32 to vector<16xi32>
      %add3A_328 = arith.addi %add3A_327, %shift_right_arithmetic3A_326 : vector<16xi32>
      %and3A_329 = arith.constant 127 : i32
      %and3A_330 = vector.broadcast %and3A_329 : i32 to vector<16xi32>
      %and3A_331 = arith.andi %add3A_323, %and3A_330 : vector<16xi32>
      %gather3A_332 = tpu.vector_load_idx %arg5[%add3A_328, %and3A_331] : memref<200x128xi32, #tpu.memory_space<vmem>>[vector<16xi32>, vector<16xi32>], vector<16xi32>,
      %swap3A_333 = arith.constant 2 : i32
      %swap3A_334 = arith.index_cast %swap3A_333 : i32 to index
      %swap3A_335 = arith.constant 48 : index
      %swap3A_336 = tpu.vector_load %arg6[%swap3A_334, %swap3A_335] {strides = array<i32>} : memref<8x128xi32, #tpu.memory_space<vmem>>, vector<16xi32>,
      tpu.vector_store %arg6[%swap3A_334, %swap3A_335], %gather3A_332 {strides = array<i32>} : memref<8x128xi32, #tpu.memory_space<vmem>>, vector<16xi32>,
      %add3A_337 = arith.constant 80 : i32
      %add3A_338 = vector.broadcast %add3A_337 : i32 to vector<16xi32>
      %add3A_339 = arith.addi %add3A_10, %add3A_338 : vector<16xi32>
      %shift_right_arithmetic3A_340 = arith.constant 7 : i32
      %shift_right_arithmetic3A_341 = vector.broadcast %shift_right_arithmetic3A_340 : i32 to vector<16xi32>
      %shift_right_arithmetic3A_342 = arith.shrsi %add3A_339, %shift_right_arithmetic3A_341 : vector<16xi32>
      %add3A_343 = vector.broadcast %mul3A_18 : i32 to vector<16xi32>
      %add3A_344 = arith.addi %add3A_343, %shift_right_arithmetic3A_342 : vector<16xi32>
      %and3A_345 = arith.constant 127 : i32
      %and3A_346 = vector.broadcast %and3A_345 : i32 to vector<16xi32>
      %and3A_347 = arith.andi %add3A_339, %and3A_346 : vector<16xi32>
      %gather3A_348 = tpu.vector_load_idx %arg5[%add3A_344, %and3A_347] : memref<200x128xi32, #tpu.memory_space<vmem>>[vector<16xi32>, vector<16xi32>], vector<16xi32>,
      %swap3A_349 = arith.constant 2 : i32
      %swap3A_350 = arith.index_cast %swap3A_349 : i32 to index
      %swap3A_351 = arith.constant 64 : index
      %swap3A_352 = tpu.vector_load %arg6[%swap3A_350, %swap3A_351] {strides = array<i32>} : memref<8x128xi32, #tpu.memory_space<vmem>>, vector<16xi32>,
      tpu.vector_store %arg6[%swap3A_350, %swap3A_351], %gather3A_348 {strides = array<i32>} : memref<8x128xi32, #tpu.memory_space<vmem>>, vector<16xi32>,
      %add3A_353 = arith.constant 84 : i32
      %add3A_354 = vector.broadcast %add3A_353 : i32 to vector<16xi32>
      %add3A_355 = arith.addi %add3A_10, %add3A_354 : vector<16xi32>
      %shift_right_arithmetic3A_356 = arith.constant 7 : i32
      %shift_right_arithmetic3A_357 = vector.broadcast %shift_right_arithmetic3A_356 : i32 to vector<16xi32>
      %shift_right_arithmetic3A_358 = arith.shrsi %add3A_355, %shift_right_arithmetic3A_357 : vector<16xi32>
      %add3A_359 = vector.broadcast %mul3A_18 : i32 to vector<16xi32>
      %add3A_360 = arith.addi %add3A_359, %shift_right_arithmetic3A_358 : vector<16xi32>
      %and3A_361 = arith.constant 127 : i32
      %and3A_362 = vector.broadcast %and3A_361 : i32 to vector<16xi32>
      %and3A_363 = arith.andi %add3A_355, %and3A_362 : vector<16xi32>
      %gather3A_364 = tpu.vector_load_idx %arg5[%add3A_360, %and3A_363] : memref<200x128xi32, #tpu.memory_space<vmem>>[vector<16xi32>, vector<16xi32>], vector<16xi32>,
      %swap3A_365 = arith.constant 2 : i32
      %swap3A_366 = arith.index_cast %swap3A_365 : i32 to index
      %swap3A_367 = arith.constant 80 : index
      %swap3A_368 = tpu.vector_load %arg6[%swap3A_366, %swap3A_367] {strides = array<i32>} : memref<8x128xi32, #tpu.memory_space<vmem>>, vector<16xi32>,
      tpu.vector_store %arg6[%swap3A_366, %swap3A_367], %gather3A_364 {strides = array<i32>} : memref<8x128xi32, #tpu.memory_space<vmem>>, vector<16xi32>,
      %add3A_369 = arith.constant 88 : i32
      %add3A_370 = vector.broadcast %add3A_369 : i32 to vector<16xi32>
      %add3A_371 = arith.addi %add3A_10, %add3A_370 : vector<16xi32>
      %shift_right_arithmetic3A_372 = arith.constant 7 : i32
      %shift_right_arithmetic3A_373 = vector.broadcast %shift_right_arithmetic3A_372 : i32 to vector<16xi32>
      %shift_right_arithmetic3A_374 = arith.shrsi %add3A_371, %shift_right_arithmetic3A_373 : vector<16xi32>
      %add3A_375 = vector.broadcast %mul3A_18 : i32 to vector<16xi32>
      %add3A_376 = arith.addi %add3A_375, %shift_right_arithmetic3A_374 : vector<16xi32>
      %and3A_377 = arith.constant 127 : i32
      %and3A_378 = vector.broadcast %and3A_377 : i32 to vector<16xi32>
      %and3A_379 = arith.andi %add3A_371, %and3A_378 : vector<16xi32>
      %gather3A_380 = tpu.vector_load_idx %arg5[%add3A_376, %and3A_379] : memref<200x128xi32, #tpu.memory_space<vmem>>[vector<16xi32>, vector<16xi32>], vector<16xi32>,
      %swap3A_381 = arith.constant 2 : i32
      %swap3A_382 = arith.index_cast %swap3A_381 : i32 to index
      %swap3A_383 = arith.constant 96 : index
      %swap3A_384 = tpu.vector_load %arg6[%swap3A_382, %swap3A_383] {strides = array<i32>} : memref<8x128xi32, #tpu.memory_space<vmem>>, vector<16xi32>,
      tpu.vector_store %arg6[%swap3A_382, %swap3A_383], %gather3A_380 {strides = array<i32>} : memref<8x128xi32, #tpu.memory_space<vmem>>, vector<16xi32>,
      %add3A_385 = arith.constant 92 : i32
      %add3A_386 = vector.broadcast %add3A_385 : i32 to vector<16xi32>
      %add3A_387 = arith.addi %add3A_10, %add3A_386 : vector<16xi32>
      %shift_right_arithmetic3A_388 = arith.constant 7 : i32
      %shift_right_arithmetic3A_389 = vector.broadcast %shift_right_arithmetic3A_388 : i32 to vector<16xi32>
      %shift_right_arithmetic3A_390 = arith.shrsi %add3A_387, %shift_right_arithmetic3A_389 : vector<16xi32>
      %add3A_391 = vector.broadcast %mul3A_18 : i32 to vector<16xi32>
      %add3A_392 = arith.addi %add3A_391, %shift_right_arithmetic3A_390 : vector<16xi32>
      %and3A_393 = arith.constant 127 : i32
      %and3A_394 = vector.broadcast %and3A_393 : i32 to vector<16xi32>
      %and3A_395 = arith.andi %add3A_387, %and3A_394 : vector<16xi32>
      %gather3A_396 = tpu.vector_load_idx %arg5[%add3A_392, %and3A_395] : memref<200x128xi32, #tpu.memory_space<vmem>>[vector<16xi32>, vector<16xi32>], vector<16xi32>,
      %swap3A_397 = arith.constant 2 : i32
      %swap3A_398 = arith.index_cast %swap3A_397 : i32 to index
      %swap3A_399 = arith.constant 112 : index
      %swap3A_400 = tpu.vector_load %arg6[%swap3A_398, %swap3A_399] {strides = array<i32>} : memref<8x128xi32, #tpu.memory_space<vmem>>, vector<16xi32>,
      tpu.vector_store %arg6[%swap3A_398, %swap3A_399], %gather3A_396 {strides = array<i32>} : memref<8x128xi32, #tpu.memory_space<vmem>>, vector<16xi32>,
      %add3A_401 = arith.constant 96 : i32
      %add3A_402 = vector.broadcast %add3A_401 : i32 to vector<16xi32>
      %add3A_403 = arith.addi %add3A_10, %add3A_402 : vector<16xi32>
      %shift_right_arithmetic3A_404 = arith.constant 7 : i32
      %shift_right_arithmetic3A_405 = vector.broadcast %shift_right_arithmetic3A_404 : i32 to vector<16xi32>
      %shift_right_arithmetic3A_406 = arith.shrsi %add3A_403, %shift_right_arithmetic3A_405 : vector<16xi32>
      %add3A_407 = vector.broadcast %mul3A_18 : i32 to vector<16xi32>
      %add3A_408 = arith.addi %add3A_407, %shift_right_arithmetic3A_406 : vector<16xi32>
      %and3A_409 = arith.constant 127 : i32
      %and3A_410 = vector.broadcast %and3A_409 : i32 to vector<16xi32>
      %and3A_411 = arith.andi %add3A_403, %and3A_410 : vector<16xi32>
      %gather3A_412 = tpu.vector_load_idx %arg5[%add3A_408, %and3A_411] : memref<200x128xi32, #tpu.memory_space<vmem>>[vector<16xi32>, vector<16xi32>], vector<16xi32>,
      %swap3A_413 = arith.constant 3 : i32
      %swap3A_414 = arith.index_cast %swap3A_413 : i32 to index
      %swap3A_415 = arith.constant 0 : index
      %swap3A_416 = tpu.vector_load %arg6[%swap3A_414, %swap3A_415] {strides = array<i32>} : memref<8x128xi32, #tpu.memory_space<vmem>>, vector<16xi32>,
      tpu.vector_store %arg6[%swap3A_414, %swap3A_415], %gather3A_412 {strides = array<i32>} : memref<8x128xi32, #tpu.memory_space<vmem>>, vector<16xi32>,
      %add3A_417 = arith.constant 100 : i32
      %add3A_418 = vector.broadcast %add3A_417 : i32 to vector<16xi32>
      %add3A_419 = arith.addi %add3A_10, %add3A_418 : vector<16xi32>
      %shift_right_arithmetic3A_420 = arith.constant 7 : i32
      %shift_right_arithmetic3A_421 = vector.broadcast %shift_right_arithmetic3A_420 : i32 to vector<16xi32>
      %shift_right_arithmetic3A_422 = arith.shrsi %add3A_419, %shift_right_arithmetic3A_421 : vector<16xi32>
      %add3A_423 = vector.broadcast %mul3A_18 : i32 to vector<16xi32>
      %add3A_424 = arith.addi %add3A_423, %shift_right_arithmetic3A_422 : vector<16xi32>
      %and3A_425 = arith.constant 127 : i32
      %and3A_426 = vector.broadcast %and3A_425 : i32 to vector<16xi32>
      %and3A_427 = arith.andi %add3A_419, %and3A_426 : vector<16xi32>
      %gather3A_428 = tpu.vector_load_idx %arg5[%add3A_424, %and3A_427] : memref<200x128xi32, #tpu.memory_space<vmem>>[vector<16xi32>, vector<16xi32>], vector<16xi32>,
      %swap3A_429 = arith.constant 3 : i32
      %swap3A_430 = arith.index_cast %swap3A_429 : i32 to index
      %swap3A_431 = arith.constant 16 : index
      %swap3A_432 = tpu.vector_load %arg6[%swap3A_430, %swap3A_431] {strides = array<i32>} : memref<8x128xi32, #tpu.memory_space<vmem>>, vector<16xi32>,
      tpu.vector_store %arg6[%swap3A_430, %swap3A_431], %gather3A_428 {strides = array<i32>} : memref<8x128xi32, #tpu.memory_space<vmem>>, vector<16xi32>,
      %add3A_433 = arith.constant 104 : i32
      %add3A_434 = vector.broadcast %add3A_433 : i32 to vector<16xi32>
      %add3A_435 = arith.addi %add3A_10, %add3A_434 : vector<16xi32>
      %shift_right_arithmetic3A_436 = arith.constant 7 : i32
      %shift_right_arithmetic3A_437 = vector.broadcast %shift_right_arithmetic3A_436 : i32 to vector<16xi32>
      %shift_right_arithmetic3A_438 = arith.shrsi %add3A_435, %shift_right_arithmetic3A_437 : vector<16xi32>
      %add3A_439 = vector.broadcast %mul3A_18 : i32 to vector<16xi32>
      %add3A_440 = arith.addi %add3A_439, %shift_right_arithmetic3A_438 : vector<16xi32>
      %and3A_441 = arith.constant 127 : i32
      %and3A_442 = vector.broadcast %and3A_441 : i32 to vector<16xi32>
      %and3A_443 = arith.andi %add3A_435, %and3A_442 : vector<16xi32>
      %gather3A_444 = tpu.vector_load_idx %arg5[%add3A_440, %and3A_443] : memref<200x128xi32, #tpu.memory_space<vmem>>[vector<16xi32>, vector<16xi32>], vector<16xi32>,
      %swap3A_445 = arith.constant 3 : i32
      %swap3A_446 = arith.index_cast %swap3A_445 : i32 to index
      %swap3A_447 = arith.constant 32 : index
      %swap3A_448 = tpu.vector_load %arg6[%swap3A_446, %swap3A_447] {strides = array<i32>} : memref<8x128xi32, #tpu.memory_space<vmem>>, vector<16xi32>,
      tpu.vector_store %arg6[%swap3A_446, %swap3A_447], %gather3A_444 {strides = array<i32>} : memref<8x128xi32, #tpu.memory_space<vmem>>, vector<16xi32>,
      %add3A_449 = arith.constant 108 : i32
      %add3A_450 = vector.broadcast %add3A_449 : i32 to vector<16xi32>
      %add3A_451 = arith.addi %add3A_10, %add3A_450 : vector<16xi32>
      %shift_right_arithmetic3A_452 = arith.constant 7 : i32
      %shift_right_arithmetic3A_453 = vector.broadcast %shift_right_arithmetic3A_452 : i32 to vector<16xi32>
      %shift_right_arithmetic3A_454 = arith.shrsi %add3A_451, %shift_right_arithmetic3A_453 : vector<16xi32>
      %add3A_455 = vector.broadcast %mul3A_18 : i32 to vector<16xi32>
      %add3A_456 = arith.addi %add3A_455, %shift_right_arithmetic3A_454 : vector<16xi32>
      %and3A_457 = arith.constant 127 : i32
      %and3A_458 = vector.broadcast %and3A_457 : i32 to vector<16xi32>
      %and3A_459 = arith.andi %add3A_451, %and3A_458 : vector<16xi32>
      %gather3A_460 = tpu.vector_load_idx %arg5[%add3A_456, %and3A_459] : memref<200x128xi32, #tpu.memory_space<vmem>>[vector<16xi32>, vector<16xi32>], vector<16xi32>,
      %swap3A_461 = arith.constant 3 : i32
      %swap3A_462 = arith.index_cast %swap3A_461 : i32 to index
      %swap3A_463 = arith.constant 48 : index
      %swap3A_464 = tpu.vector_load %arg6[%swap3A_462, %swap3A_463] {strides = array<i32>} : memref<8x128xi32, #tpu.memory_space<vmem>>, vector<16xi32>,
      tpu.vector_store %arg6[%swap3A_462, %swap3A_463], %gather3A_460 {strides = array<i32>} : memref<8x128xi32, #tpu.memory_space<vmem>>, vector<16xi32>,
      %add3A_465 = arith.constant 112 : i32
      %add3A_466 = vector.broadcast %add3A_465 : i32 to vector<16xi32>
      %add3A_467 = arith.addi %add3A_10, %add3A_466 : vector<16xi32>
      %shift_right_arithmetic3A_468 = arith.constant 7 : i32
      %shift_right_arithmetic3A_469 = vector.broadcast %shift_right_arithmetic3A_468 : i32 to vector<16xi32>
      %shift_right_arithmetic3A_470 = arith.shrsi %add3A_467, %shift_right_arithmetic3A_469 : vector<16xi32>
      %add3A_471 = vector.broadcast %mul3A_18 : i32 to vector<16xi32>
      %add3A_472 = arith.addi %add3A_471, %shift_right_arithmetic3A_470 : vector<16xi32>
      %and3A_473 = arith.constant 127 : i32
      %and3A_474 = vector.broadcast %and3A_473 : i32 to vector<16xi32>
      %and3A_475 = arith.andi %add3A_467, %and3A_474 : vector<16xi32>
      %gather3A_476 = tpu.vector_load_idx %arg5[%add3A_472, %and3A_475] : memref<200x128xi32, #tpu.memory_space<vmem>>[vector<16xi32>, vector<16xi32>], vector<16xi32>,
      %swap3A_477 = arith.constant 3 : i32
      %swap3A_478 = arith.index_cast %swap3A_477 : i32 to index
      %swap3A_479 = arith.constant 64 : index
      %swap3A_480 = tpu.vector_load %arg6[%swap3A_478, %swap3A_479] {strides = array<i32>} : memref<8x128xi32, #tpu.memory_space<vmem>>, vector<16xi32>,
      tpu.vector_store %arg6[%swap3A_478, %swap3A_479], %gather3A_476 {strides = array<i32>} : memref<8x128xi32, #tpu.memory_space<vmem>>, vector<16xi32>,
      %add3A_481 = arith.constant 116 : i32
      %add3A_482 = vector.broadcast %add3A_481 : i32 to vector<16xi32>
      %add3A_483 = arith.addi %add3A_10, %add3A_482 : vector<16xi32>
      %shift_right_arithmetic3A_484 = arith.constant 7 : i32
      %shift_right_arithmetic3A_485 = vector.broadcast %shift_right_arithmetic3A_484 : i32 to vector<16xi32>
      %shift_right_arithmetic3A_486 = arith.shrsi %add3A_483, %shift_right_arithmetic3A_485 : vector<16xi32>
      %add3A_487 = vector.broadcast %mul3A_18 : i32 to vector<16xi32>
      %add3A_488 = arith.addi %add3A_487, %shift_right_arithmetic3A_486 : vector<16xi32>
      %and3A_489 = arith.constant 127 : i32
      %and3A_490 = vector.broadcast %and3A_489 : i32 to vector<16xi32>
      %and3A_491 = arith.andi %add3A_483, %and3A_490 : vector<16xi32>
      %gather3A_492 = tpu.vector_load_idx %arg5[%add3A_488, %and3A_491] : memref<200x128xi32, #tpu.memory_space<vmem>>[vector<16xi32>, vector<16xi32>], vector<16xi32>,
      %swap3A_493 = arith.constant 3 : i32
      %swap3A_494 = arith.index_cast %swap3A_493 : i32 to index
      %swap3A_495 = arith.constant 80 : index
      %swap3A_496 = tpu.vector_load %arg6[%swap3A_494, %swap3A_495] {strides = array<i32>} : memref<8x128xi32, #tpu.memory_space<vmem>>, vector<16xi32>,
      tpu.vector_store %arg6[%swap3A_494, %swap3A_495], %gather3A_492 {strides = array<i32>} : memref<8x128xi32, #tpu.memory_space<vmem>>, vector<16xi32>,
      %add3A_497 = arith.constant 120 : i32
      %add3A_498 = vector.broadcast %add3A_497 : i32 to vector<16xi32>
      %add3A_499 = arith.addi %add3A_10, %add3A_498 : vector<16xi32>
      %shift_right_arithmetic3A_500 = arith.constant 7 : i32
      %shift_right_arithmetic3A_501 = vector.broadcast %shift_right_arithmetic3A_500 : i32 to vector<16xi32>
      %shift_right_arithmetic3A_502 = arith.shrsi %add3A_499, %shift_right_arithmetic3A_501 : vector<16xi32>
      %add3A_503 = vector.broadcast %mul3A_18 : i32 to vector<16xi32>
      %add3A_504 = arith.addi %add3A_503, %shift_right_arithmetic3A_502 : vector<16xi32>
      %and3A_505 = arith.constant 127 : i32
      %and3A_506 = vector.broadcast %and3A_505 : i32 to vector<16xi32>
      %and3A_507 = arith.andi %add3A_499, %and3A_506 : vector<16xi32>
      %gather3A_508 = tpu.vector_load_idx %arg5[%add3A_504, %and3A_507] : memref<200x128xi32, #tpu.memory_space<vmem>>[vector<16xi32>, vector<16xi32>], vector<16xi32>,
      %swap3A_509 = arith.constant 3 : i32
      %swap3A_510 = arith.index_cast %swap3A_509 : i32 to index
      %swap3A_511 = arith.constant 96 : index
      %swap3A_512 = tpu.vector_load %arg6[%swap3A_510, %swap3A_511] {strides = array<i32>} : memref<8x128xi32, #tpu.memory_space<vmem>>, vector<16xi32>,
      tpu.vector_store %arg6[%swap3A_510, %swap3A_511], %gather3A_508 {strides = array<i32>} : memref<8x128xi32, #tpu.memory_space<vmem>>, vector<16xi32>,
      %add3A_513 = arith.constant 124 : i32
      %add3A_514 = vector.broadcast %add3A_513 : i32 to vector<16xi32>
      %add3A_515 = arith.addi %add3A_10, %add3A_514 : vector<16xi32>
      %shift_right_arithmetic3A_516 = arith.constant 7 : i32
      %shift_right_arithmetic3A_517 = vector.broadcast %shift_right_arithmetic3A_516 : i32 to vector<16xi32>
      %shift_right_arithmetic3A_518 = arith.shrsi %add3A_515, %shift_right_arithmetic3A_517 : vector<16xi32>
      %add3A_519 = vector.broadcast %mul3A_18 : i32 to vector<16xi32>
      %add3A_520 = arith.addi %add3A_519, %shift_right_arithmetic3A_518 : vector<16xi32>
      %and3A_521 = arith.constant 127 : i32
      %and3A_522 = vector.broadcast %and3A_521 : i32 to vector<16xi32>
      %and3A_523 = arith.andi %add3A_515, %and3A_522 : vector<16xi32>
      %gather3A_524 = tpu.vector_load_idx %arg5[%add3A_520, %and3A_523] : memref<200x128xi32, #tpu.memory_space<vmem>>[vector<16xi32>, vector<16xi32>], vector<16xi32>,
      %swap3A_525 = arith.constant 3 : i32
      %swap3A_526 = arith.index_cast %swap3A_525 : i32 to index
      %swap3A_527 = arith.constant 112 : index
      %swap3A_528 = tpu.vector_load %arg6[%swap3A_526, %swap3A_527] {strides = array<i32>} : memref<8x128xi32, #tpu.memory_space<vmem>>, vector<16xi32>,
      tpu.vector_store %arg6[%swap3A_526, %swap3A_527], %gather3A_524 {strides = array<i32>} : memref<8x128xi32, #tpu.memory_space<vmem>>, vector<16xi32>,
      %add3A_529 = arith.constant 128 : i32
      %add3A_530 = vector.broadcast %add3A_529 : i32 to vector<16xi32>
      %add3A_531 = arith.addi %add3A_10, %add3A_530 : vector<16xi32>
      %shift_right_arithmetic3A_532 = arith.constant 7 : i32
      %shift_right_arithmetic3A_533 = vector.broadcast %shift_right_arithmetic3A_532 : i32 to vector<16xi32>
      %shift_right_arithmetic3A_534 = arith.shrsi %add3A_531, %shift_right_arithmetic3A_533 : vector<16xi32>
      %add3A_535 = vector.broadcast %mul3A_18 : i32 to vector<16xi32>
      %add3A_536 = arith.addi %add3A_535, %shift_right_arithmetic3A_534 : vector<16xi32>
      %and3A_537 = arith.constant 127 : i32
      %and3A_538 = vector.broadcast %and3A_537 : i32 to vector<16xi32>
      %and3A_539 = arith.andi %add3A_531, %and3A_538 : vector<16xi32>
      %gather3A_540 = tpu.vector_load_idx %arg5[%add3A_536, %and3A_539] : memref<200x128xi32, #tpu.memory_space<vmem>>[vector<16xi32>, vector<16xi32>], vector<16xi32>,
      %swap3A_541 = arith.constant 4 : i32
      %swap3A_542 = arith.index_cast %swap3A_541 : i32 to index
      %swap3A_543 = arith.constant 0 : index
      %swap3A_544 = tpu.vector_load %arg6[%swap3A_542, %swap3A_543] {strides = array<i32>} : memref<8x128xi32, #tpu.memory_space<vmem>>, vector<16xi32>,
      tpu.vector_store %arg6[%swap3A_542, %swap3A_543], %gather3A_540 {strides = array<i32>} : memref<8x128xi32, #tpu.memory_space<vmem>>, vector<16xi32>,
      %add3A_545 = arith.constant 132 : i32
      %add3A_546 = vector.broadcast %add3A_545 : i32 to vector<16xi32>
      %add3A_547 = arith.addi %add3A_10, %add3A_546 : vector<16xi32>
      %shift_right_arithmetic3A_548 = arith.constant 7 : i32
      %shift_right_arithmetic3A_549 = vector.broadcast %shift_right_arithmetic3A_548 : i32 to vector<16xi32>
      %shift_right_arithmetic3A_550 = arith.shrsi %add3A_547, %shift_right_arithmetic3A_549 : vector<16xi32>
      %add3A_551 = vector.broadcast %mul3A_18 : i32 to vector<16xi32>
      %add3A_552 = arith.addi %add3A_551, %shift_right_arithmetic3A_550 : vector<16xi32>
      %and3A_553 = arith.constant 127 : i32
      %and3A_554 = vector.broadcast %and3A_553 : i32 to vector<16xi32>
      %and3A_555 = arith.andi %add3A_547, %and3A_554 : vector<16xi32>
      %gather3A_556 = tpu.vector_load_idx %arg5[%add3A_552, %and3A_555] : memref<200x128xi32, #tpu.memory_space<vmem>>[vector<16xi32>, vector<16xi32>], vector<16xi32>,
      %swap3A_557 = arith.constant 4 : i32
      %swap3A_558 = arith.index_cast %swap3A_557 : i32 to index
      %swap3A_559 = arith.constant 16 : index
      %swap3A_560 = tpu.vector_load %arg6[%swap3A_558, %swap3A_559] {strides = array<i32>} : memref<8x128xi32, #tpu.memory_space<vmem>>, vector<16xi32>,
      tpu.vector_store %arg6[%swap3A_558, %swap3A_559], %gather3A_556 {strides = array<i32>} : memref<8x128xi32, #tpu.memory_space<vmem>>, vector<16xi32>,
      %add3A_561 = arith.constant 136 : i32
      %add3A_562 = vector.broadcast %add3A_561 : i32 to vector<16xi32>
      %add3A_563 = arith.addi %add3A_10, %add3A_562 : vector<16xi32>
      %shift_right_arithmetic3A_564 = arith.constant 7 : i32
      %shift_right_arithmetic3A_565 = vector.broadcast %shift_right_arithmetic3A_564 : i32 to vector<16xi32>
      %shift_right_arithmetic3A_566 = arith.shrsi %add3A_563, %shift_right_arithmetic3A_565 : vector<16xi32>
      %add3A_567 = vector.broadcast %mul3A_18 : i32 to vector<16xi32>
      %add3A_568 = arith.addi %add3A_567, %shift_right_arithmetic3A_566 : vector<16xi32>
      %and3A_569 = arith.constant 127 : i32
      %and3A_570 = vector.broadcast %and3A_569 : i32 to vector<16xi32>
      %and3A_571 = arith.andi %add3A_563, %and3A_570 : vector<16xi32>
      %gather3A_572 = tpu.vector_load_idx %arg5[%add3A_568, %and3A_571] : memref<200x128xi32, #tpu.memory_space<vmem>>[vector<16xi32>, vector<16xi32>], vector<16xi32>,
      %swap3A_573 = arith.constant 4 : i32
      %swap3A_574 = arith.index_cast %swap3A_573 : i32 to index
      %swap3A_575 = arith.constant 32 : index
      %swap3A_576 = tpu.vector_load %arg6[%swap3A_574, %swap3A_575] {strides = array<i32>} : memref<8x128xi32, #tpu.memory_space<vmem>>, vector<16xi32>,
      tpu.vector_store %arg6[%swap3A_574, %swap3A_575], %gather3A_572 {strides = array<i32>} : memref<8x128xi32, #tpu.memory_space<vmem>>, vector<16xi32>,
      %add3A_577 = arith.constant 140 : i32
      %add3A_578 = vector.broadcast %add3A_577 : i32 to vector<16xi32>
      %add3A_579 = arith.addi %add3A_10, %add3A_578 : vector<16xi32>
      %shift_right_arithmetic3A_580 = arith.constant 7 : i32
      %shift_right_arithmetic3A_581 = vector.broadcast %shift_right_arithmetic3A_580 : i32 to vector<16xi32>
      %shift_right_arithmetic3A_582 = arith.shrsi %add3A_579, %shift_right_arithmetic3A_581 : vector<16xi32>
      %add3A_583 = vector.broadcast %mul3A_18 : i32 to vector<16xi32>
      %add3A_584 = arith.addi %add3A_583, %shift_right_arithmetic3A_582 : vector<16xi32>
      %and3A_585 = arith.constant 127 : i32
      %and3A_586 = vector.broadcast %and3A_585 : i32 to vector<16xi32>
      %and3A_587 = arith.andi %add3A_579, %and3A_586 : vector<16xi32>
      %gather3A_588 = tpu.vector_load_idx %arg5[%add3A_584, %and3A_587] : memref<200x128xi32, #tpu.memory_space<vmem>>[vector<16xi32>, vector<16xi32>], vector<16xi32>,
      %swap3A_589 = arith.constant 4 : i32
      %swap3A_590 = arith.index_cast %swap3A_589 : i32 to index
      %swap3A_591 = arith.constant 48 : index
      %swap3A_592 = tpu.vector_load %arg6[%swap3A_590, %swap3A_591] {strides = array<i32>} : memref<8x128xi32, #tpu.memory_space<vmem>>, vector<16xi32>,
      tpu.vector_store %arg6[%swap3A_590, %swap3A_591], %gather3A_588 {strides = array<i32>} : memref<8x128xi32, #tpu.memory_space<vmem>>, vector<16xi32>,
      %add3A_593 = arith.constant 144 : i32
      %add3A_594 = vector.broadcast %add3A_593 : i32 to vector<16xi32>
      %add3A_595 = arith.addi %add3A_10, %add3A_594 : vector<16xi32>
      %shift_right_arithmetic3A_596 = arith.constant 7 : i32
      %shift_right_arithmetic3A_597 = vector.broadcast %shift_right_arithmetic3A_596 : i32 to vector<16xi32>
      %shift_right_arithmetic3A_598 = arith.shrsi %add3A_595, %shift_right_arithmetic3A_597 : vector<16xi32>
      %add3A_599 = vector.broadcast %mul3A_18 : i32 to vector<16xi32>
      %add3A_600 = arith.addi %add3A_599, %shift_right_arithmetic3A_598 : vector<16xi32>
      %and3A_601 = arith.constant 127 : i32
      %and3A_602 = vector.broadcast %and3A_601 : i32 to vector<16xi32>
      %and3A_603 = arith.andi %add3A_595, %and3A_602 : vector<16xi32>
      %gather3A_604 = tpu.vector_load_idx %arg5[%add3A_600, %and3A_603] : memref<200x128xi32, #tpu.memory_space<vmem>>[vector<16xi32>, vector<16xi32>], vector<16xi32>,
      %swap3A_605 = arith.constant 4 : i32
      %swap3A_606 = arith.index_cast %swap3A_605 : i32 to index
      %swap3A_607 = arith.constant 64 : index
      %swap3A_608 = tpu.vector_load %arg6[%swap3A_606, %swap3A_607] {strides = array<i32>} : memref<8x128xi32, #tpu.memory_space<vmem>>, vector<16xi32>,
      tpu.vector_store %arg6[%swap3A_606, %swap3A_607], %gather3A_604 {strides = array<i32>} : memref<8x128xi32, #tpu.memory_space<vmem>>, vector<16xi32>,
      %add3A_609 = arith.constant 148 : i32
      %add3A_610 = vector.broadcast %add3A_609 : i32 to vector<16xi32>
      %add3A_611 = arith.addi %add3A_10, %add3A_610 : vector<16xi32>
      %shift_right_arithmetic3A_612 = arith.constant 7 : i32
      %shift_right_arithmetic3A_613 = vector.broadcast %shift_right_arithmetic3A_612 : i32 to vector<16xi32>
      %shift_right_arithmetic3A_614 = arith.shrsi %add3A_611, %shift_right_arithmetic3A_613 : vector<16xi32>
      %add3A_615 = vector.broadcast %mul3A_18 : i32 to vector<16xi32>
      %add3A_616 = arith.addi %add3A_615, %shift_right_arithmetic3A_614 : vector<16xi32>
      %and3A_617 = arith.constant 127 : i32
      %and3A_618 = vector.broadcast %and3A_617 : i32 to vector<16xi32>
      %and3A_619 = arith.andi %add3A_611, %and3A_618 : vector<16xi32>
      %gather3A_620 = tpu.vector_load_idx %arg5[%add3A_616, %and3A_619] : memref<200x128xi32, #tpu.memory_space<vmem>>[vector<16xi32>, vector<16xi32>], vector<16xi32>,
      %swap3A_621 = arith.constant 4 : i32
      %swap3A_622 = arith.index_cast %swap3A_621 : i32 to index
      %swap3A_623 = arith.constant 80 : index
      %swap3A_624 = tpu.vector_load %arg6[%swap3A_622, %swap3A_623] {strides = array<i32>} : memref<8x128xi32, #tpu.memory_space<vmem>>, vector<16xi32>,
      tpu.vector_store %arg6[%swap3A_622, %swap3A_623], %gather3A_620 {strides = array<i32>} : memref<8x128xi32, #tpu.memory_space<vmem>>, vector<16xi32>,
      %add3A_625 = arith.constant 152 : i32
      %add3A_626 = vector.broadcast %add3A_625 : i32 to vector<16xi32>
      %add3A_627 = arith.addi %add3A_10, %add3A_626 : vector<16xi32>
      %shift_right_arithmetic3A_628 = arith.constant 7 : i32
      %shift_right_arithmetic3A_629 = vector.broadcast %shift_right_arithmetic3A_628 : i32 to vector<16xi32>
      %shift_right_arithmetic3A_630 = arith.shrsi %add3A_627, %shift_right_arithmetic3A_629 : vector<16xi32>
      %add3A_631 = vector.broadcast %mul3A_18 : i32 to vector<16xi32>
      %add3A_632 = arith.addi %add3A_631, %shift_right_arithmetic3A_630 : vector<16xi32>
      %and3A_633 = arith.constant 127 : i32
      %and3A_634 = vector.broadcast %and3A_633 : i32 to vector<16xi32>
      %and3A_635 = arith.andi %add3A_627, %and3A_634 : vector<16xi32>
      %gather3A_636 = tpu.vector_load_idx %arg5[%add3A_632, %and3A_635] : memref<200x128xi32, #tpu.memory_space<vmem>>[vector<16xi32>, vector<16xi32>], vector<16xi32>,
      %swap3A_637 = arith.constant 4 : i32
      %swap3A_638 = arith.index_cast %swap3A_637 : i32 to index
      %swap3A_639 = arith.constant 96 : index
      %swap3A_640 = tpu.vector_load %arg6[%swap3A_638, %swap3A_639] {strides = array<i32>} : memref<8x128xi32, #tpu.memory_space<vmem>>, vector<16xi32>,
      tpu.vector_store %arg6[%swap3A_638, %swap3A_639], %gather3A_636 {strides = array<i32>} : memref<8x128xi32, #tpu.memory_space<vmem>>, vector<16xi32>,
      %add3A_641 = arith.constant 156 : i32
      %add3A_642 = vector.broadcast %add3A_641 : i32 to vector<16xi32>
      %add3A_643 = arith.addi %add3A_10, %add3A_642 : vector<16xi32>
      %shift_right_arithmetic3A_644 = arith.constant 7 : i32
      %shift_right_arithmetic3A_645 = vector.broadcast %shift_right_arithmetic3A_644 : i32 to vector<16xi32>
      %shift_right_arithmetic3A_646 = arith.shrsi %add3A_643, %shift_right_arithmetic3A_645 : vector<16xi32>
      %add3A_647 = vector.broadcast %mul3A_18 : i32 to vector<16xi32>
      %add3A_648 = arith.addi %add3A_647, %shift_right_arithmetic3A_646 : vector<16xi32>
      %and3A_649 = arith.constant 127 : i32
      %and3A_650 = vector.broadcast %and3A_649 : i32 to vector<16xi32>
      %and3A_651 = arith.andi %add3A_643, %and3A_650 : vector<16xi32>
      %gather3A_652 = tpu.vector_load_idx %arg5[%add3A_648, %and3A_651] : memref<200x128xi32, #tpu.memory_space<vmem>>[vector<16xi32>, vector<16xi32>], vector<16xi32>,
      %swap3A_653 = arith.constant 4 : i32
      %swap3A_654 = arith.index_cast %swap3A_653 : i32 to index
      %swap3A_655 = arith.constant 112 : index
      %swap3A_656 = tpu.vector_load %arg6[%swap3A_654, %swap3A_655] {strides = array<i32>} : memref<8x128xi32, #tpu.memory_space<vmem>>, vector<16xi32>,
      tpu.vector_store %arg6[%swap3A_654, %swap3A_655], %gather3A_652 {strides = array<i32>} : memref<8x128xi32, #tpu.memory_space<vmem>>, vector<16xi32>,
      %add3A_657 = arith.constant 160 : i32
      %add3A_658 = vector.broadcast %add3A_657 : i32 to vector<16xi32>
      %add3A_659 = arith.addi %add3A_10, %add3A_658 : vector<16xi32>
      %shift_right_arithmetic3A_660 = arith.constant 7 : i32
      %shift_right_arithmetic3A_661 = vector.broadcast %shift_right_arithmetic3A_660 : i32 to vector<16xi32>
      %shift_right_arithmetic3A_662 = arith.shrsi %add3A_659, %shift_right_arithmetic3A_661 : vector<16xi32>
      %add3A_663 = vector.broadcast %mul3A_18 : i32 to vector<16xi32>
      %add3A_664 = arith.addi %add3A_663, %shift_right_arithmetic3A_662 : vector<16xi32>
      %and3A_665 = arith.constant 127 : i32
      %and3A_666 = vector.broadcast %and3A_665 : i32 to vector<16xi32>
      %and3A_667 = arith.andi %add3A_659, %and3A_666 : vector<16xi32>
      %gather3A_668 = tpu.vector_load_idx %arg5[%add3A_664, %and3A_667] : memref<200x128xi32, #tpu.memory_space<vmem>>[vector<16xi32>, vector<16xi32>], vector<16xi32>,
      %swap3A_669 = arith.constant 5 : i32
      %swap3A_670 = arith.index_cast %swap3A_669 : i32 to index
      %swap3A_671 = arith.constant 0 : index
      %swap3A_672 = tpu.vector_load %arg6[%swap3A_670, %swap3A_671] {strides = array<i32>} : memref<8x128xi32, #tpu.memory_space<vmem>>, vector<16xi32>,
      tpu.vector_store %arg6[%swap3A_670, %swap3A_671], %gather3A_668 {strides = array<i32>} : memref<8x128xi32, #tpu.memory_space<vmem>>, vector<16xi32>,
      %add3A_673 = arith.constant 164 : i32
      %add3A_674 = vector.broadcast %add3A_673 : i32 to vector<16xi32>
      %add3A_675 = arith.addi %add3A_10, %add3A_674 : vector<16xi32>
      %shift_right_arithmetic3A_676 = arith.constant 7 : i32
      %shift_right_arithmetic3A_677 = vector.broadcast %shift_right_arithmetic3A_676 : i32 to vector<16xi32>
      %shift_right_arithmetic3A_678 = arith.shrsi %add3A_675, %shift_right_arithmetic3A_677 : vector<16xi32>
      %add3A_679 = vector.broadcast %mul3A_18 : i32 to vector<16xi32>
      %add3A_680 = arith.addi %add3A_679, %shift_right_arithmetic3A_678 : vector<16xi32>
      %and3A_681 = arith.constant 127 : i32
      %and3A_682 = vector.broadcast %and3A_681 : i32 to vector<16xi32>
      %and3A_683 = arith.andi %add3A_675, %and3A_682 : vector<16xi32>
      %gather3A_684 = tpu.vector_load_idx %arg5[%add3A_680, %and3A_683] : memref<200x128xi32, #tpu.memory_space<vmem>>[vector<16xi32>, vector<16xi32>], vector<16xi32>,
      %swap3A_685 = arith.constant 5 : i32
      %swap3A_686 = arith.index_cast %swap3A_685 : i32 to index
      %swap3A_687 = arith.constant 16 : index
      %swap3A_688 = tpu.vector_load %arg6[%swap3A_686, %swap3A_687] {strides = array<i32>} : memref<8x128xi32, #tpu.memory_space<vmem>>, vector<16xi32>,
      tpu.vector_store %arg6[%swap3A_686, %swap3A_687], %gather3A_684 {strides = array<i32>} : memref<8x128xi32, #tpu.memory_space<vmem>>, vector<16xi32>,
      %add3A_689 = arith.constant 168 : i32
      %add3A_690 = vector.broadcast %add3A_689 : i32 to vector<16xi32>
      %add3A_691 = arith.addi %add3A_10, %add3A_690 : vector<16xi32>
      %shift_right_arithmetic3A_692 = arith.constant 7 : i32
      %shift_right_arithmetic3A_693 = vector.broadcast %shift_right_arithmetic3A_692 : i32 to vector<16xi32>
      %shift_right_arithmetic3A_694 = arith.shrsi %add3A_691, %shift_right_arithmetic3A_693 : vector<16xi32>
      %add3A_695 = vector.broadcast %mul3A_18 : i32 to vector<16xi32>
      %add3A_696 = arith.addi %add3A_695, %shift_right_arithmetic3A_694 : vector<16xi32>
      %and3A_697 = arith.constant 127 : i32
      %and3A_698 = vector.broadcast %and3A_697 : i32 to vector<16xi32>
      %and3A_699 = arith.andi %add3A_691, %and3A_698 : vector<16xi32>
      %gather3A_700 = tpu.vector_load_idx %arg5[%add3A_696, %and3A_699] : memref<200x128xi32, #tpu.memory_space<vmem>>[vector<16xi32>, vector<16xi32>], vector<16xi32>,
      %swap3A_701 = arith.constant 5 : i32
      %swap3A_702 = arith.index_cast %swap3A_701 : i32 to index
      %swap3A_703 = arith.constant 32 : index
      %swap3A_704 = tpu.vector_load %arg6[%swap3A_702, %swap3A_703] {strides = array<i32>} : memref<8x128xi32, #tpu.memory_space<vmem>>, vector<16xi32>,
      tpu.vector_store %arg6[%swap3A_702, %swap3A_703], %gather3A_700 {strides = array<i32>} : memref<8x128xi32, #tpu.memory_space<vmem>>, vector<16xi32>,
      %add3A_705 = arith.constant 172 : i32
      %add3A_706 = vector.broadcast %add3A_705 : i32 to vector<16xi32>
      %add3A_707 = arith.addi %add3A_10, %add3A_706 : vector<16xi32>
      %shift_right_arithmetic3A_708 = arith.constant 7 : i32
      %shift_right_arithmetic3A_709 = vector.broadcast %shift_right_arithmetic3A_708 : i32 to vector<16xi32>
      %shift_right_arithmetic3A_710 = arith.shrsi %add3A_707, %shift_right_arithmetic3A_709 : vector<16xi32>
      %add3A_711 = vector.broadcast %mul3A_18 : i32 to vector<16xi32>
      %add3A_712 = arith.addi %add3A_711, %shift_right_arithmetic3A_710 : vector<16xi32>
      %and3A_713 = arith.constant 127 : i32
      %and3A_714 = vector.broadcast %and3A_713 : i32 to vector<16xi32>
      %and3A_715 = arith.andi %add3A_707, %and3A_714 : vector<16xi32>
      %gather3A_716 = tpu.vector_load_idx %arg5[%add3A_712, %and3A_715] : memref<200x128xi32, #tpu.memory_space<vmem>>[vector<16xi32>, vector<16xi32>], vector<16xi32>,
      %swap3A_717 = arith.constant 5 : i32
      %swap3A_718 = arith.index_cast %swap3A_717 : i32 to index
      %swap3A_719 = arith.constant 48 : index
      %swap3A_720 = tpu.vector_load %arg6[%swap3A_718, %swap3A_719] {strides = array<i32>} : memref<8x128xi32, #tpu.memory_space<vmem>>, vector<16xi32>,
      tpu.vector_store %arg6[%swap3A_718, %swap3A_719], %gather3A_716 {strides = array<i32>} : memref<8x128xi32, #tpu.memory_space<vmem>>, vector<16xi32>,
      %add3A_721 = arith.constant 176 : i32
      %add3A_722 = vector.broadcast %add3A_721 : i32 to vector<16xi32>
      %add3A_723 = arith.addi %add3A_10, %add3A_722 : vector<16xi32>
      %shift_right_arithmetic3A_724 = arith.constant 7 : i32
      %shift_right_arithmetic3A_725 = vector.broadcast %shift_right_arithmetic3A_724 : i32 to vector<16xi32>
      %shift_right_arithmetic3A_726 = arith.shrsi %add3A_723, %shift_right_arithmetic3A_725 : vector<16xi32>
      %add3A_727 = vector.broadcast %mul3A_18 : i32 to vector<16xi32>
      %add3A_728 = arith.addi %add3A_727, %shift_right_arithmetic3A_726 : vector<16xi32>
      %and3A_729 = arith.constant 127 : i32
      %and3A_730 = vector.broadcast %and3A_729 : i32 to vector<16xi32>
      %and3A_731 = arith.andi %add3A_723, %and3A_730 : vector<16xi32>
      %gather3A_732 = tpu.vector_load_idx %arg5[%add3A_728, %and3A_731] : memref<200x128xi32, #tpu.memory_space<vmem>>[vector<16xi32>, vector<16xi32>], vector<16xi32>,
      %swap3A_733 = arith.constant 5 : i32
      %swap3A_734 = arith.index_cast %swap3A_733 : i32 to index
      %swap3A_735 = arith.constant 64 : index
      %swap3A_736 = tpu.vector_load %arg6[%swap3A_734, %swap3A_735] {strides = array<i32>} : memref<8x128xi32, #tpu.memory_space<vmem>>, vector<16xi32>,
      tpu.vector_store %arg6[%swap3A_734, %swap3A_735], %gather3A_732 {strides = array<i32>} : memref<8x128xi32, #tpu.memory_space<vmem>>, vector<16xi32>,
      %add3A_737 = arith.constant 180 : i32
      %add3A_738 = vector.broadcast %add3A_737 : i32 to vector<16xi32>
      %add3A_739 = arith.addi %add3A_10, %add3A_738 : vector<16xi32>
      %shift_right_arithmetic3A_740 = arith.constant 7 : i32
      %shift_right_arithmetic3A_741 = vector.broadcast %shift_right_arithmetic3A_740 : i32 to vector<16xi32>
      %shift_right_arithmetic3A_742 = arith.shrsi %add3A_739, %shift_right_arithmetic3A_741 : vector<16xi32>
      %add3A_743 = vector.broadcast %mul3A_18 : i32 to vector<16xi32>
      %add3A_744 = arith.addi %add3A_743, %shift_right_arithmetic3A_742 : vector<16xi32>
      %and3A_745 = arith.constant 127 : i32
      %and3A_746 = vector.broadcast %and3A_745 : i32 to vector<16xi32>
      %and3A_747 = arith.andi %add3A_739, %and3A_746 : vector<16xi32>
      %gather3A_748 = tpu.vector_load_idx %arg5[%add3A_744, %and3A_747] : memref<200x128xi32, #tpu.memory_space<vmem>>[vector<16xi32>, vector<16xi32>], vector<16xi32>,
      %swap3A_749 = arith.constant 5 : i32
      %swap3A_750 = arith.index_cast %swap3A_749 : i32 to index
      %swap3A_751 = arith.constant 80 : index
      %swap3A_752 = tpu.vector_load %arg6[%swap3A_750, %swap3A_751] {strides = array<i32>} : memref<8x128xi32, #tpu.memory_space<vmem>>, vector<16xi32>,
      tpu.vector_store %arg6[%swap3A_750, %swap3A_751], %gather3A_748 {strides = array<i32>} : memref<8x128xi32, #tpu.memory_space<vmem>>, vector<16xi32>,
      %add3A_753 = arith.constant 184 : i32
      %add3A_754 = vector.broadcast %add3A_753 : i32 to vector<16xi32>
      %add3A_755 = arith.addi %add3A_10, %add3A_754 : vector<16xi32>
      %shift_right_arithmetic3A_756 = arith.constant 7 : i32
      %shift_right_arithmetic3A_757 = vector.broadcast %shift_right_arithmetic3A_756 : i32 to vector<16xi32>
      %shift_right_arithmetic3A_758 = arith.shrsi %add3A_755, %shift_right_arithmetic3A_757 : vector<16xi32>
      %add3A_759 = vector.broadcast %mul3A_18 : i32 to vector<16xi32>
      %add3A_760 = arith.addi %add3A_759, %shift_right_arithmetic3A_758 : vector<16xi32>
      %and3A_761 = arith.constant 127 : i32
      %and3A_762 = vector.broadcast %and3A_761 : i32 to vector<16xi32>
      %and3A_763 = arith.andi %add3A_755, %and3A_762 : vector<16xi32>
      %gather3A_764 = tpu.vector_load_idx %arg5[%add3A_760, %and3A_763] : memref<200x128xi32, #tpu.memory_space<vmem>>[vector<16xi32>, vector<16xi32>], vector<16xi32>,
      %swap3A_765 = arith.constant 5 : i32
      %swap3A_766 = arith.index_cast %swap3A_765 : i32 to index
      %swap3A_767 = arith.constant 96 : index
      %swap3A_768 = tpu.vector_load %arg6[%swap3A_766, %swap3A_767] {strides = array<i32>} : memref<8x128xi32, #tpu.memory_space<vmem>>, vector<16xi32>,
      tpu.vector_store %arg6[%swap3A_766, %swap3A_767], %gather3A_764 {strides = array<i32>} : memref<8x128xi32, #tpu.memory_space<vmem>>, vector<16xi32>,
      %add3A_769 = arith.constant 188 : i32
      %add3A_770 = vector.broadcast %add3A_769 : i32 to vector<16xi32>
      %add3A_771 = arith.addi %add3A_10, %add3A_770 : vector<16xi32>
      %shift_right_arithmetic3A_772 = arith.constant 7 : i32
      %shift_right_arithmetic3A_773 = vector.broadcast %shift_right_arithmetic3A_772 : i32 to vector<16xi32>
      %shift_right_arithmetic3A_774 = arith.shrsi %add3A_771, %shift_right_arithmetic3A_773 : vector<16xi32>
      %add3A_775 = vector.broadcast %mul3A_18 : i32 to vector<16xi32>
      %add3A_776 = arith.addi %add3A_775, %shift_right_arithmetic3A_774 : vector<16xi32>
      %and3A_777 = arith.constant 127 : i32
      %and3A_778 = vector.broadcast %and3A_777 : i32 to vector<16xi32>
      %and3A_779 = arith.andi %add3A_771, %and3A_778 : vector<16xi32>
      %gather3A_780 = tpu.vector_load_idx %arg5[%add3A_776, %and3A_779] : memref<200x128xi32, #tpu.memory_space<vmem>>[vector<16xi32>, vector<16xi32>], vector<16xi32>,
      %swap3A_781 = arith.constant 5 : i32
      %swap3A_782 = arith.index_cast %swap3A_781 : i32 to index
      %swap3A_783 = arith.constant 112 : index
      %swap3A_784 = tpu.vector_load %arg6[%swap3A_782, %swap3A_783] {strides = array<i32>} : memref<8x128xi32, #tpu.memory_space<vmem>>, vector<16xi32>,
      tpu.vector_store %arg6[%swap3A_782, %swap3A_783], %gather3A_780 {strides = array<i32>} : memref<8x128xi32, #tpu.memory_space<vmem>>, vector<16xi32>,
      %add3A_785 = arith.constant 192 : i32
      %add3A_786 = vector.broadcast %add3A_785 : i32 to vector<16xi32>
      %add3A_787 = arith.addi %add3A_10, %add3A_786 : vector<16xi32>
      %shift_right_arithmetic3A_788 = arith.constant 7 : i32
      %shift_right_arithmetic3A_789 = vector.broadcast %shift_right_arithmetic3A_788 : i32 to vector<16xi32>
      %shift_right_arithmetic3A_790 = arith.shrsi %add3A_787, %shift_right_arithmetic3A_789 : vector<16xi32>
      %add3A_791 = vector.broadcast %mul3A_18 : i32 to vector<16xi32>
      %add3A_792 = arith.addi %add3A_791, %shift_right_arithmetic3A_790 : vector<16xi32>
      %and3A_793 = arith.constant 127 : i32
      %and3A_794 = vector.broadcast %and3A_793 : i32 to vector<16xi32>
      %and3A_795 = arith.andi %add3A_787, %and3A_794 : vector<16xi32>
      %gather3A_796 = tpu.vector_load_idx %arg5[%add3A_792, %and3A_795] : memref<200x128xi32, #tpu.memory_space<vmem>>[vector<16xi32>, vector<16xi32>], vector<16xi32>,
      %swap3A_797 = arith.constant 6 : i32
      %swap3A_798 = arith.index_cast %swap3A_797 : i32 to index
      %swap3A_799 = arith.constant 0 : index
      %swap3A_800 = tpu.vector_load %arg6[%swap3A_798, %swap3A_799] {strides = array<i32>} : memref<8x128xi32, #tpu.memory_space<vmem>>, vector<16xi32>,
      tpu.vector_store %arg6[%swap3A_798, %swap3A_799], %gather3A_796 {strides = array<i32>} : memref<8x128xi32, #tpu.memory_space<vmem>>, vector<16xi32>,
      %add3A_801 = arith.constant 196 : i32
      %add3A_802 = vector.broadcast %add3A_801 : i32 to vector<16xi32>
      %add3A_803 = arith.addi %add3A_10, %add3A_802 : vector<16xi32>
      %shift_right_arithmetic3A_804 = arith.constant 7 : i32
      %shift_right_arithmetic3A_805 = vector.broadcast %shift_right_arithmetic3A_804 : i32 to vector<16xi32>
      %shift_right_arithmetic3A_806 = arith.shrsi %add3A_803, %shift_right_arithmetic3A_805 : vector<16xi32>
      %add3A_807 = vector.broadcast %mul3A_18 : i32 to vector<16xi32>
      %add3A_808 = arith.addi %add3A_807, %shift_right_arithmetic3A_806 : vector<16xi32>
      %and3A_809 = arith.constant 127 : i32
      %and3A_810 = vector.broadcast %and3A_809 : i32 to vector<16xi32>
      %and3A_811 = arith.andi %add3A_803, %and3A_810 : vector<16xi32>
      %gather3A_812 = tpu.vector_load_idx %arg5[%add3A_808, %and3A_811] : memref<200x128xi32, #tpu.memory_space<vmem>>[vector<16xi32>, vector<16xi32>], vector<16xi32>,
      %swap3A_813 = arith.constant 6 : i32
      %swap3A_814 = arith.index_cast %swap3A_813 : i32 to index
      %swap3A_815 = arith.constant 16 : index
      %swap3A_816 = tpu.vector_load %arg6[%swap3A_814, %swap3A_815] {strides = array<i32>} : memref<8x128xi32, #tpu.memory_space<vmem>>, vector<16xi32>,
      tpu.vector_store %arg6[%swap3A_814, %swap3A_815], %gather3A_812 {strides = array<i32>} : memref<8x128xi32, #tpu.memory_space<vmem>>, vector<16xi32>,
      %add3A_817 = arith.constant 200 : i32
      %add3A_818 = vector.broadcast %add3A_817 : i32 to vector<16xi32>
      %add3A_819 = arith.addi %add3A_10, %add3A_818 : vector<16xi32>
      %shift_right_arithmetic3A_820 = arith.constant 7 : i32
      %shift_right_arithmetic3A_821 = vector.broadcast %shift_right_arithmetic3A_820 : i32 to vector<16xi32>
      %shift_right_arithmetic3A_822 = arith.shrsi %add3A_819, %shift_right_arithmetic3A_821 : vector<16xi32>
      %add3A_823 = vector.broadcast %mul3A_18 : i32 to vector<16xi32>
      %add3A_824 = arith.addi %add3A_823, %shift_right_arithmetic3A_822 : vector<16xi32>
      %and3A_825 = arith.constant 127 : i32
      %and3A_826 = vector.broadcast %and3A_825 : i32 to vector<16xi32>
      %and3A_827 = arith.andi %add3A_819, %and3A_826 : vector<16xi32>
      %gather3A_828 = tpu.vector_load_idx %arg5[%add3A_824, %and3A_827] : memref<200x128xi32, #tpu.memory_space<vmem>>[vector<16xi32>, vector<16xi32>], vector<16xi32>,
      %swap3A_829 = arith.constant 6 : i32
      %swap3A_830 = arith.index_cast %swap3A_829 : i32 to index
      %swap3A_831 = arith.constant 32 : index
      %swap3A_832 = tpu.vector_load %arg6[%swap3A_830, %swap3A_831] {strides = array<i32>} : memref<8x128xi32, #tpu.memory_space<vmem>>, vector<16xi32>,
      tpu.vector_store %arg6[%swap3A_830, %swap3A_831], %gather3A_828 {strides = array<i32>} : memref<8x128xi32, #tpu.memory_space<vmem>>, vector<16xi32>,
      %add3A_833 = arith.constant 204 : i32
      %add3A_834 = vector.broadcast %add3A_833 : i32 to vector<16xi32>
      %add3A_835 = arith.addi %add3A_10, %add3A_834 : vector<16xi32>
      %shift_right_arithmetic3A_836 = arith.constant 7 : i32
      %shift_right_arithmetic3A_837 = vector.broadcast %shift_right_arithmetic3A_836 : i32 to vector<16xi32>
      %shift_right_arithmetic3A_838 = arith.shrsi %add3A_835, %shift_right_arithmetic3A_837 : vector<16xi32>
      %add3A_839 = vector.broadcast %mul3A_18 : i32 to vector<16xi32>
      %add3A_840 = arith.addi %add3A_839, %shift_right_arithmetic3A_838 : vector<16xi32>
      %and3A_841 = arith.constant 127 : i32
      %and3A_842 = vector.broadcast %and3A_841 : i32 to vector<16xi32>
      %and3A_843 = arith.andi %add3A_835, %and3A_842 : vector<16xi32>
      %gather3A_844 = tpu.vector_load_idx %arg5[%add3A_840, %and3A_843] : memref<200x128xi32, #tpu.memory_space<vmem>>[vector<16xi32>, vector<16xi32>], vector<16xi32>,
      %swap3A_845 = arith.constant 6 : i32
      %swap3A_846 = arith.index_cast %swap3A_845 : i32 to index
      %swap3A_847 = arith.constant 48 : index
      %swap3A_848 = tpu.vector_load %arg6[%swap3A_846, %swap3A_847] {strides = array<i32>} : memref<8x128xi32, #tpu.memory_space<vmem>>, vector<16xi32>,
      tpu.vector_store %arg6[%swap3A_846, %swap3A_847], %gather3A_844 {strides = array<i32>} : memref<8x128xi32, #tpu.memory_space<vmem>>, vector<16xi32>,
      %add3A_849 = arith.constant 208 : i32
      %add3A_850 = vector.broadcast %add3A_849 : i32 to vector<16xi32>
      %add3A_851 = arith.addi %add3A_10, %add3A_850 : vector<16xi32>
      %shift_right_arithmetic3A_852 = arith.constant 7 : i32
      %shift_right_arithmetic3A_853 = vector.broadcast %shift_right_arithmetic3A_852 : i32 to vector<16xi32>
      %shift_right_arithmetic3A_854 = arith.shrsi %add3A_851, %shift_right_arithmetic3A_853 : vector<16xi32>
      %add3A_855 = vector.broadcast %mul3A_18 : i32 to vector<16xi32>
      %add3A_856 = arith.addi %add3A_855, %shift_right_arithmetic3A_854 : vector<16xi32>
      %and3A_857 = arith.constant 127 : i32
      %and3A_858 = vector.broadcast %and3A_857 : i32 to vector<16xi32>
      %and3A_859 = arith.andi %add3A_851, %and3A_858 : vector<16xi32>
      %gather3A_860 = tpu.vector_load_idx %arg5[%add3A_856, %and3A_859] : memref<200x128xi32, #tpu.memory_space<vmem>>[vector<16xi32>, vector<16xi32>], vector<16xi32>,
      %swap3A_861 = arith.constant 6 : i32
      %swap3A_862 = arith.index_cast %swap3A_861 : i32 to index
      %swap3A_863 = arith.constant 64 : index
      %swap3A_864 = tpu.vector_load %arg6[%swap3A_862, %swap3A_863] {strides = array<i32>} : memref<8x128xi32, #tpu.memory_space<vmem>>, vector<16xi32>,
      tpu.vector_store %arg6[%swap3A_862, %swap3A_863], %gather3A_860 {strides = array<i32>} : memref<8x128xi32, #tpu.memory_space<vmem>>, vector<16xi32>,
      %add3A_865 = arith.constant 212 : i32
      %add3A_866 = vector.broadcast %add3A_865 : i32 to vector<16xi32>
      %add3A_867 = arith.addi %add3A_10, %add3A_866 : vector<16xi32>
      %shift_right_arithmetic3A_868 = arith.constant 7 : i32
      %shift_right_arithmetic3A_869 = vector.broadcast %shift_right_arithmetic3A_868 : i32 to vector<16xi32>
      %shift_right_arithmetic3A_870 = arith.shrsi %add3A_867, %shift_right_arithmetic3A_869 : vector<16xi32>
      %add3A_871 = vector.broadcast %mul3A_18 : i32 to vector<16xi32>
      %add3A_872 = arith.addi %add3A_871, %shift_right_arithmetic3A_870 : vector<16xi32>
      %and3A_873 = arith.constant 127 : i32
      %and3A_874 = vector.broadcast %and3A_873 : i32 to vector<16xi32>
      %and3A_875 = arith.andi %add3A_867, %and3A_874 : vector<16xi32>
      %gather3A_876 = tpu.vector_load_idx %arg5[%add3A_872, %and3A_875] : memref<200x128xi32, #tpu.memory_space<vmem>>[vector<16xi32>, vector<16xi32>], vector<16xi32>,
      %swap3A_877 = arith.constant 6 : i32
      %swap3A_878 = arith.index_cast %swap3A_877 : i32 to index
      %swap3A_879 = arith.constant 80 : index
      %swap3A_880 = tpu.vector_load %arg6[%swap3A_878, %swap3A_879] {strides = array<i32>} : memref<8x128xi32, #tpu.memory_space<vmem>>, vector<16xi32>,
      tpu.vector_store %arg6[%swap3A_878, %swap3A_879], %gather3A_876 {strides = array<i32>} : memref<8x128xi32, #tpu.memory_space<vmem>>, vector<16xi32>,
      %add3A_881 = arith.constant 216 : i32
      %add3A_882 = vector.broadcast %add3A_881 : i32 to vector<16xi32>
      %add3A_883 = arith.addi %add3A_10, %add3A_882 : vector<16xi32>
      %shift_right_arithmetic3A_884 = arith.constant 7 : i32
      %shift_right_arithmetic3A_885 = vector.broadcast %shift_right_arithmetic3A_884 : i32 to vector<16xi32>
      %shift_right_arithmetic3A_886 = arith.shrsi %add3A_883, %shift_right_arithmetic3A_885 : vector<16xi32>
      %add3A_887 = vector.broadcast %mul3A_18 : i32 to vector<16xi32>
      %add3A_888 = arith.addi %add3A_887, %shift_right_arithmetic3A_886 : vector<16xi32>
      %and3A_889 = arith.constant 127 : i32
      %and3A_890 = vector.broadcast %and3A_889 : i32 to vector<16xi32>
      %and3A_891 = arith.andi %add3A_883, %and3A_890 : vector<16xi32>
      %gather3A_892 = tpu.vector_load_idx %arg5[%add3A_888, %and3A_891] : memref<200x128xi32, #tpu.memory_space<vmem>>[vector<16xi32>, vector<16xi32>], vector<16xi32>,
      %swap3A_893 = arith.constant 6 : i32
      %swap3A_894 = arith.index_cast %swap3A_893 : i32 to index
      %swap3A_895 = arith.constant 96 : index
      %swap3A_896 = tpu.vector_load %arg6[%swap3A_894, %swap3A_895] {strides = array<i32>} : memref<8x128xi32, #tpu.memory_space<vmem>>, vector<16xi32>,
      tpu.vector_store %arg6[%swap3A_894, %swap3A_895], %gather3A_892 {strides = array<i32>} : memref<8x128xi32, #tpu.memory_space<vmem>>, vector<16xi32>,
      %add3A_897 = arith.constant 220 : i32
      %add3A_898 = vector.broadcast %add3A_897 : i32 to vector<16xi32>
      %add3A_899 = arith.addi %add3A_10, %add3A_898 : vector<16xi32>
      %shift_right_arithmetic3A_900 = arith.constant 7 : i32
      %shift_right_arithmetic3A_901 = vector.broadcast %shift_right_arithmetic3A_900 : i32 to vector<16xi32>
      %shift_right_arithmetic3A_902 = arith.shrsi %add3A_899, %shift_right_arithmetic3A_901 : vector<16xi32>
      %add3A_903 = vector.broadcast %mul3A_18 : i32 to vector<16xi32>
      %add3A_904 = arith.addi %add3A_903, %shift_right_arithmetic3A_902 : vector<16xi32>
      %and3A_905 = arith.constant 127 : i32
      %and3A_906 = vector.broadcast %and3A_905 : i32 to vector<16xi32>
      %and3A_907 = arith.andi %add3A_899, %and3A_906 : vector<16xi32>
      %gather3A_908 = tpu.vector_load_idx %arg5[%add3A_904, %and3A_907] : memref<200x128xi32, #tpu.memory_space<vmem>>[vector<16xi32>, vector<16xi32>], vector<16xi32>,
      %swap3A_909 = arith.constant 6 : i32
      %swap3A_910 = arith.index_cast %swap3A_909 : i32 to index
      %swap3A_911 = arith.constant 112 : index
      %swap3A_912 = tpu.vector_load %arg6[%swap3A_910, %swap3A_911] {strides = array<i32>} : memref<8x128xi32, #tpu.memory_space<vmem>>, vector<16xi32>,
      tpu.vector_store %arg6[%swap3A_910, %swap3A_911], %gather3A_908 {strides = array<i32>} : memref<8x128xi32, #tpu.memory_space<vmem>>, vector<16xi32>,
      %add3A_913 = arith.constant 224 : i32
      %add3A_914 = vector.broadcast %add3A_913 : i32 to vector<16xi32>
      %add3A_915 = arith.addi %add3A_10, %add3A_914 : vector<16xi32>
      %shift_right_arithmetic3A_916 = arith.constant 7 : i32
      %shift_right_arithmetic3A_917 = vector.broadcast %shift_right_arithmetic3A_916 : i32 to vector<16xi32>
      %shift_right_arithmetic3A_918 = arith.shrsi %add3A_915, %shift_right_arithmetic3A_917 : vector<16xi32>
      %add3A_919 = vector.broadcast %mul3A_18 : i32 to vector<16xi32>
      %add3A_920 = arith.addi %add3A_919, %shift_right_arithmetic3A_918 : vector<16xi32>
      %and3A_921 = arith.constant 127 : i32
      %and3A_922 = vector.broadcast %and3A_921 : i32 to vector<16xi32>
      %and3A_923 = arith.andi %add3A_915, %and3A_922 : vector<16xi32>
      %gather3A_924 = tpu.vector_load_idx %arg5[%add3A_920, %and3A_923] : memref<200x128xi32, #tpu.memory_space<vmem>>[vector<16xi32>, vector<16xi32>], vector<16xi32>,
      %swap3A_925 = arith.constant 7 : i32
      %swap3A_926 = arith.index_cast %swap3A_925 : i32 to index
      %swap3A_927 = arith.constant 0 : index
      %swap3A_928 = tpu.vector_load %arg6[%swap3A_926, %swap3A_927] {strides = array<i32>} : memref<8x128xi32, #tpu.memory_space<vmem>>, vector<16xi32>,
      tpu.vector_store %arg6[%swap3A_926, %swap3A_927], %gather3A_924 {strides = array<i32>} : memref<8x128xi32, #tpu.memory_space<vmem>>, vector<16xi32>,
      %add3A_929 = arith.constant 228 : i32
      %add3A_930 = vector.broadcast %add3A_929 : i32 to vector<16xi32>
      %add3A_931 = arith.addi %add3A_10, %add3A_930 : vector<16xi32>
      %shift_right_arithmetic3A_932 = arith.constant 7 : i32
      %shift_right_arithmetic3A_933 = vector.broadcast %shift_right_arithmetic3A_932 : i32 to vector<16xi32>
      %shift_right_arithmetic3A_934 = arith.shrsi %add3A_931, %shift_right_arithmetic3A_933 : vector<16xi32>
      %add3A_935 = vector.broadcast %mul3A_18 : i32 to vector<16xi32>
      %add3A_936 = arith.addi %add3A_935, %shift_right_arithmetic3A_934 : vector<16xi32>
      %and3A_937 = arith.constant 127 : i32
      %and3A_938 = vector.broadcast %and3A_937 : i32 to vector<16xi32>
      %and3A_939 = arith.andi %add3A_931, %and3A_938 : vector<16xi32>
      %gather3A_940 = tpu.vector_load_idx %arg5[%add3A_936, %and3A_939] : memref<200x128xi32, #tpu.memory_space<vmem>>[vector<16xi32>, vector<16xi32>], vector<16xi32>,
      %swap3A_941 = arith.constant 7 : i32
      %swap3A_942 = arith.index_cast %swap3A_941 : i32 to index
      %swap3A_943 = arith.constant 16 : index
      %swap3A_944 = tpu.vector_load %arg6[%swap3A_942, %swap3A_943] {strides = array<i32>} : memref<8x128xi32, #tpu.memory_space<vmem>>, vector<16xi32>,
      tpu.vector_store %arg6[%swap3A_942, %swap3A_943], %gather3A_940 {strides = array<i32>} : memref<8x128xi32, #tpu.memory_space<vmem>>, vector<16xi32>,
      %add3A_945 = arith.constant 232 : i32
      %add3A_946 = vector.broadcast %add3A_945 : i32 to vector<16xi32>
      %add3A_947 = arith.addi %add3A_10, %add3A_946 : vector<16xi32>
      %shift_right_arithmetic3A_948 = arith.constant 7 : i32
      %shift_right_arithmetic3A_949 = vector.broadcast %shift_right_arithmetic3A_948 : i32 to vector<16xi32>
      %shift_right_arithmetic3A_950 = arith.shrsi %add3A_947, %shift_right_arithmetic3A_949 : vector<16xi32>
      %add3A_951 = vector.broadcast %mul3A_18 : i32 to vector<16xi32>
      %add3A_952 = arith.addi %add3A_951, %shift_right_arithmetic3A_950 : vector<16xi32>
      %and3A_953 = arith.constant 127 : i32
      %and3A_954 = vector.broadcast %and3A_953 : i32 to vector<16xi32>
      %and3A_955 = arith.andi %add3A_947, %and3A_954 : vector<16xi32>
      %gather3A_956 = tpu.vector_load_idx %arg5[%add3A_952, %and3A_955] : memref<200x128xi32, #tpu.memory_space<vmem>>[vector<16xi32>, vector<16xi32>], vector<16xi32>,
      %swap3A_957 = arith.constant 7 : i32
      %swap3A_958 = arith.index_cast %swap3A_957 : i32 to index
      %swap3A_959 = arith.constant 32 : index
      %swap3A_960 = tpu.vector_load %arg6[%swap3A_958, %swap3A_959] {strides = array<i32>} : memref<8x128xi32, #tpu.memory_space<vmem>>, vector<16xi32>,
      tpu.vector_store %arg6[%swap3A_958, %swap3A_959], %gather3A_956 {strides = array<i32>} : memref<8x128xi32, #tpu.memory_space<vmem>>, vector<16xi32>,
      %add3A_961 = arith.constant 236 : i32
      %add3A_962 = vector.broadcast %add3A_961 : i32 to vector<16xi32>
      %add3A_963 = arith.addi %add3A_10, %add3A_962 : vector<16xi32>
      %shift_right_arithmetic3A_964 = arith.constant 7 : i32
      %shift_right_arithmetic3A_965 = vector.broadcast %shift_right_arithmetic3A_964 : i32 to vector<16xi32>
      %shift_right_arithmetic3A_966 = arith.shrsi %add3A_963, %shift_right_arithmetic3A_965 : vector<16xi32>
      %add3A_967 = vector.broadcast %mul3A_18 : i32 to vector<16xi32>
      %add3A_968 = arith.addi %add3A_967, %shift_right_arithmetic3A_966 : vector<16xi32>
      %and3A_969 = arith.constant 127 : i32
      %and3A_970 = vector.broadcast %and3A_969 : i32 to vector<16xi32>
      %and3A_971 = arith.andi %add3A_963, %and3A_970 : vector<16xi32>
      %gather3A_972 = tpu.vector_load_idx %arg5[%add3A_968, %and3A_971] : memref<200x128xi32, #tpu.memory_space<vmem>>[vector<16xi32>, vector<16xi32>], vector<16xi32>,
      %swap3A_973 = arith.constant 7 : i32
      %swap3A_974 = arith.index_cast %swap3A_973 : i32 to index
      %swap3A_975 = arith.constant 48 : index
      %swap3A_976 = tpu.vector_load %arg6[%swap3A_974, %swap3A_975] {strides = array<i32>} : memref<8x128xi32, #tpu.memory_space<vmem>>, vector<16xi32>,
      tpu.vector_store %arg6[%swap3A_974, %swap3A_975], %gather3A_972 {strides = array<i32>} : memref<8x128xi32, #tpu.memory_space<vmem>>, vector<16xi32>,
      %add3A_977 = arith.constant 240 : i32
      %add3A_978 = vector.broadcast %add3A_977 : i32 to vector<16xi32>
      %add3A_979 = arith.addi %add3A_10, %add3A_978 : vector<16xi32>
      %shift_right_arithmetic3A_980 = arith.constant 7 : i32
      %shift_right_arithmetic3A_981 = vector.broadcast %shift_right_arithmetic3A_980 : i32 to vector<16xi32>
      %shift_right_arithmetic3A_982 = arith.shrsi %add3A_979, %shift_right_arithmetic3A_981 : vector<16xi32>
      %add3A_983 = vector.broadcast %mul3A_18 : i32 to vector<16xi32>
      %add3A_984 = arith.addi %add3A_983, %shift_right_arithmetic3A_982 : vector<16xi32>
      %and3A_985 = arith.constant 127 : i32
      %and3A_986 = vector.broadcast %and3A_985 : i32 to vector<16xi32>
      %and3A_987 = arith.andi %add3A_979, %and3A_986 : vector<16xi32>
      %gather3A_988 = tpu.vector_load_idx %arg5[%add3A_984, %and3A_987] : memref<200x128xi32, #tpu.memory_space<vmem>>[vector<16xi32>, vector<16xi32>], vector<16xi32>,
      %swap3A_989 = arith.constant 7 : i32
      %swap3A_990 = arith.index_cast %swap3A_989 : i32 to index
      %swap3A_991 = arith.constant 64 : index
      %swap3A_992 = tpu.vector_load %arg6[%swap3A_990, %swap3A_991] {strides = array<i32>} : memref<8x128xi32, #tpu.memory_space<vmem>>, vector<16xi32>,
      tpu.vector_store %arg6[%swap3A_990, %swap3A_991], %gather3A_988 {strides = array<i32>} : memref<8x128xi32, #tpu.memory_space<vmem>>, vector<16xi32>,
      %add3A_993 = arith.constant 244 : i32
      %add3A_994 = vector.broadcast %add3A_993 : i32 to vector<16xi32>
      %add3A_995 = arith.addi %add3A_10, %add3A_994 : vector<16xi32>
      %shift_right_arithmetic3A_996 = arith.constant 7 : i32
      %shift_right_arithmetic3A_997 = vector.broadcast %shift_right_arithmetic3A_996 : i32 to vector<16xi32>
      %shift_right_arithmetic3A_998 = arith.shrsi %add3A_995, %shift_right_arithmetic3A_997 : vector<16xi32>
      %add3A_999 = vector.broadcast %mul3A_18 : i32 to vector<16xi32>
      %add3A_1000 = arith.addi %add3A_999, %shift_right_arithmetic3A_998 : vector<16xi32>
      %and3A_1001 = arith.constant 127 : i32
      %and3A_1002 = vector.broadcast %and3A_1001 : i32 to vector<16xi32>
      %and3A_1003 = arith.andi %add3A_995, %and3A_1002 : vector<16xi32>
      %gather3A_1004 = tpu.vector_load_idx %arg5[%add3A_1000, %and3A_1003] : memref<200x128xi32, #tpu.memory_space<vmem>>[vector<16xi32>, vector<16xi32>], vector<16xi32>,
      %swap3A_1005 = arith.constant 7 : i32
      %swap3A_1006 = arith.index_cast %swap3A_1005 : i32 to index
      %swap3A_1007 = arith.constant 80 : index
      %swap3A_1008 = tpu.vector_load %arg6[%swap3A_1006, %swap3A_1007] {strides = array<i32>} : memref<8x128xi32, #tpu.memory_space<vmem>>, vector<16xi32>,
      tpu.vector_store %arg6[%swap3A_1006, %swap3A_1007], %gather3A_1004 {strides = array<i32>} : memref<8x128xi32, #tpu.memory_space<vmem>>, vector<16xi32>,
      %add3A_1009 = arith.constant 248 : i32
      %add3A_1010 = vector.broadcast %add3A_1009 : i32 to vector<16xi32>
      %add3A_1011 = arith.addi %add3A_10, %add3A_1010 : vector<16xi32>
      %shift_right_arithmetic3A_1012 = arith.constant 7 : i32
      %shift_right_arithmetic3A_1013 = vector.broadcast %shift_right_arithmetic3A_1012 : i32 to vector<16xi32>
      %shift_right_arithmetic3A_1014 = arith.shrsi %add3A_1011, %shift_right_arithmetic3A_1013 : vector<16xi32>
      %add3A_1015 = vector.broadcast %mul3A_18 : i32 to vector<16xi32>
      %add3A_1016 = arith.addi %add3A_1015, %shift_right_arithmetic3A_1014 : vector<16xi32>
      %and3A_1017 = arith.constant 127 : i32
      %and3A_1018 = vector.broadcast %and3A_1017 : i32 to vector<16xi32>
      %and3A_1019 = arith.andi %add3A_1011, %and3A_1018 : vector<16xi32>
      %gather3A_1020 = tpu.vector_load_idx %arg5[%add3A_1016, %and3A_1019] : memref<200x128xi32, #tpu.memory_space<vmem>>[vector<16xi32>, vector<16xi32>], vector<16xi32>,
      %swap3A_1021 = arith.constant 7 : i32
      %swap3A_1022 = arith.index_cast %swap3A_1021 : i32 to index
      %swap3A_1023 = arith.constant 96 : index
      %swap3A_1024 = tpu.vector_load %arg6[%swap3A_1022, %swap3A_1023] {strides = array<i32>} : memref<8x128xi32, #tpu.memory_space<vmem>>, vector<16xi32>,
      tpu.vector_store %arg6[%swap3A_1022, %swap3A_1023], %gather3A_1020 {strides = array<i32>} : memref<8x128xi32, #tpu.memory_space<vmem>>, vector<16xi32>,
      %add3A_1025 = arith.constant 252 : i32
      %add3A_1026 = vector.broadcast %add3A_1025 : i32 to vector<16xi32>
      %add3A_1027 = arith.addi %add3A_10, %add3A_1026 : vector<16xi32>
      %shift_right_arithmetic3A_1028 = arith.constant 7 : i32
      %shift_right_arithmetic3A_1029 = vector.broadcast %shift_right_arithmetic3A_1028 : i32 to vector<16xi32>
      %shift_right_arithmetic3A_1030 = arith.shrsi %add3A_1027, %shift_right_arithmetic3A_1029 : vector<16xi32>
      %add3A_1031 = vector.broadcast %mul3A_18 : i32 to vector<16xi32>
      %add3A_1032 = arith.addi %add3A_1031, %shift_right_arithmetic3A_1030 : vector<16xi32>
      %and3A_1033 = arith.constant 127 : i32
      %and3A_1034 = vector.broadcast %and3A_1033 : i32 to vector<16xi32>
      %and3A_1035 = arith.andi %add3A_1027, %and3A_1034 : vector<16xi32>
      %gather3A_1036 = tpu.vector_load_idx %arg5[%add3A_1032, %and3A_1035] : memref<200x128xi32, #tpu.memory_space<vmem>>[vector<16xi32>, vector<16xi32>], vector<16xi32>,
      %swap3A_1037 = arith.constant 7 : i32
      %swap3A_1038 = arith.index_cast %swap3A_1037 : i32 to index
      %swap3A_1039 = arith.constant 112 : index
      %swap3A_1040 = tpu.vector_load %arg6[%swap3A_1038, %swap3A_1039] {strides = array<i32>} : memref<8x128xi32, #tpu.memory_space<vmem>>, vector<16xi32>,
      tpu.vector_store %arg6[%swap3A_1038, %swap3A_1039], %gather3A_1036 {strides = array<i32>} : memref<8x128xi32, #tpu.memory_space<vmem>>, vector<16xi32>,
      %dma_start3A = arith.constant 0 : i32
      %dma_start3A_1041 = arith.constant 0 : i32
      %dma_start3A_1042 = arith.constant 0 : i32
      %dma_start3A_1043 = tpu.memref_slice %arg7[%dma_start3A_1041, %dma_start3A_1042] : memref<1024x32xf32, #tpu.memory_space<vmem>> -> memref<128x32xf32, #tpu.memory_space<vmem>>
      %dma_start3A_1044 = arith.constant 0 : i32
      %dma_start3A_1045 = tpu.memref_slice %arg6[%dma_start3A, %dma_start3A_1044] : memref<8x128xi32, #tpu.memory_space<vmem>> -> memref<1x128xi32, #tpu.memory_space<vmem>>
      %dma_start3A_1046 = tpu.memref_squeeze %dma_start3A_1045 : memref<1x128xi32, #tpu.memory_space<vmem>> -> memref<128xi32, #tpu.memory_space<vmem>>
      %dma_start3A_1047 = arith.constant 0 : i32
      %dma_start3A_1048 = arith.constant 0 : i32
      %dma_start3A_1049 = tpu.memref_slice %arg2[%dma_start3A_1047, %dma_start3A_1048] : memref<1000000x32xf32, #tpu.memory_space<hbm>> -> memref<1000000x32xf32, #tpu.memory_space<hbm>>
      tpu.enqueue_indirect_dma source(%dma_start3A_1049 : memref<1000000x32xf32, #tpu.memory_space<hbm>>) target(%dma_start3A_1043 : memref<128x32xf32, #tpu.memory_space<vmem>>) offsets(%dma_start3A_1046 : memref<128xi32, #tpu.memory_space<vmem>>) semaphore(%arg8 : memref<!tpu.dma_semaphore, #tpu.memory_space<semaphore_mem>>)
      %dma_start3A_1050 = arith.constant 1 : i32
      %dma_start3A_1051 = arith.constant 128 : i32
      %dma_start3A_1052 = arith.constant 0 : i32
      %dma_start3A_1053 = tpu.memref_slice %arg7[%dma_start3A_1051, %dma_start3A_1052] : memref<1024x32xf32, #tpu.memory_space<vmem>> -> memref<128x32xf32, #tpu.memory_space<vmem>>
      %dma_start3A_1054 = arith.constant 0 : i32
      %dma_start3A_1055 = tpu.memref_slice %arg6[%dma_start3A_1050, %dma_start3A_1054] : memref<8x128xi32, #tpu.memory_space<vmem>> -> memref<1x128xi32, #tpu.memory_space<vmem>>
      %dma_start3A_1056 = tpu.memref_squeeze %dma_start3A_1055 : memref<1x128xi32, #tpu.memory_space<vmem>> -> memref<128xi32, #tpu.memory_space<vmem>>
      %dma_start3A_1057 = arith.constant 0 : i32
      %dma_start3A_1058 = arith.constant 0 : i32
      %dma_start3A_1059 = tpu.memref_slice %arg2[%dma_start3A_1057, %dma_start3A_1058] : memref<1000000x32xf32, #tpu.memory_space<hbm>> -> memref<1000000x32xf32, #tpu.memory_space<hbm>>
      tpu.enqueue_indirect_dma source(%dma_start3A_1059 : memref<1000000x32xf32, #tpu.memory_space<hbm>>) target(%dma_start3A_1053 : memref<128x32xf32, #tpu.memory_space<vmem>>) offsets(%dma_start3A_1056 : memref<128xi32, #tpu.memory_space<vmem>>) semaphore(%arg8 : memref<!tpu.dma_semaphore, #tpu.memory_space<semaphore_mem>>)
      %dma_start3A_1060 = arith.constant 2 : i32
      %dma_start3A_1061 = arith.constant 256 : i32
      %dma_start3A_1062 = arith.constant 0 : i32
      %dma_start3A_1063 = tpu.memref_slice %arg7[%dma_start3A_1061, %dma_start3A_1062] : memref<1024x32xf32, #tpu.memory_space<vmem>> -> memref<128x32xf32, #tpu.memory_space<vmem>>
      %dma_start3A_1064 = arith.constant 0 : i32
      %dma_start3A_1065 = tpu.memref_slice %arg6[%dma_start3A_1060, %dma_start3A_1064] : memref<8x128xi32, #tpu.memory_space<vmem>> -> memref<1x128xi32, #tpu.memory_space<vmem>>
      %dma_start3A_1066 = tpu.memref_squeeze %dma_start3A_1065 : memref<1x128xi32, #tpu.memory_space<vmem>> -> memref<128xi32, #tpu.memory_space<vmem>>
      %dma_start3A_1067 = arith.constant 0 : i32
      %dma_start3A_1068 = arith.constant 0 : i32
      %dma_start3A_1069 = tpu.memref_slice %arg2[%dma_start3A_1067, %dma_start3A_1068] : memref<1000000x32xf32, #tpu.memory_space<hbm>> -> memref<1000000x32xf32, #tpu.memory_space<hbm>>
      tpu.enqueue_indirect_dma source(%dma_start3A_1069 : memref<1000000x32xf32, #tpu.memory_space<hbm>>) target(%dma_start3A_1063 : memref<128x32xf32, #tpu.memory_space<vmem>>) offsets(%dma_start3A_1066 : memref<128xi32, #tpu.memory_space<vmem>>) semaphore(%arg8 : memref<!tpu.dma_semaphore, #tpu.memory_space<semaphore_mem>>)
      %dma_start3A_1070 = arith.constant 3 : i32
      %dma_start3A_1071 = arith.constant 384 : i32
      %dma_start3A_1072 = arith.constant 0 : i32
      %dma_start3A_1073 = tpu.memref_slice %arg7[%dma_start3A_1071, %dma_start3A_1072] : memref<1024x32xf32, #tpu.memory_space<vmem>> -> memref<128x32xf32, #tpu.memory_space<vmem>>
      %dma_start3A_1074 = arith.constant 0 : i32
      %dma_start3A_1075 = tpu.memref_slice %arg6[%dma_start3A_1070, %dma_start3A_1074] : memref<8x128xi32, #tpu.memory_space<vmem>> -> memref<1x128xi32, #tpu.memory_space<vmem>>
      %dma_start3A_1076 = tpu.memref_squeeze %dma_start3A_1075 : memref<1x128xi32, #tpu.memory_space<vmem>> -> memref<128xi32, #tpu.memory_space<vmem>>
      %dma_start3A_1077 = arith.constant 0 : i32
      %dma_start3A_1078 = arith.constant 0 : i32
      %dma_start3A_1079 = tpu.memref_slice %arg2[%dma_start3A_1077, %dma_start3A_1078] : memref<1000000x32xf32, #tpu.memory_space<hbm>> -> memref<1000000x32xf32, #tpu.memory_space<hbm>>
      tpu.enqueue_indirect_dma source(%dma_start3A_1079 : memref<1000000x32xf32, #tpu.memory_space<hbm>>) target(%dma_start3A_1073 : memref<128x32xf32, #tpu.memory_space<vmem>>) offsets(%dma_start3A_1076 : memref<128xi32, #tpu.memory_space<vmem>>) semaphore(%arg8 : memref<!tpu.dma_semaphore, #tpu.memory_space<semaphore_mem>>)
      %dma_start3A_1080 = arith.constant 4 : i32
      %dma_start3A_1081 = arith.constant 512 : i32
      %dma_start3A_1082 = arith.constant 0 : i32
      %dma_start3A_1083 = tpu.memref_slice %arg7[%dma_start3A_1081, %dma_start3A_1082] : memref<1024x32xf32, #tpu.memory_space<vmem>> -> memref<128x32xf32, #tpu.memory_space<vmem>>
      %dma_start3A_1084 = arith.constant 0 : i32
      %dma_start3A_1085 = tpu.memref_slice %arg6[%dma_start3A_1080, %dma_start3A_1084] : memref<8x128xi32, #tpu.memory_space<vmem>> -> memref<1x128xi32, #tpu.memory_space<vmem>>
      %dma_start3A_1086 = tpu.memref_squeeze %dma_start3A_1085 : memref<1x128xi32, #tpu.memory_space<vmem>> -> memref<128xi32, #tpu.memory_space<vmem>>
      %dma_start3A_1087 = arith.constant 0 : i32
      %dma_start3A_1088 = arith.constant 0 : i32
      %dma_start3A_1089 = tpu.memref_slice %arg2[%dma_start3A_1087, %dma_start3A_1088] : memref<1000000x32xf32, #tpu.memory_space<hbm>> -> memref<1000000x32xf32, #tpu.memory_space<hbm>>
      tpu.enqueue_indirect_dma source(%dma_start3A_1089 : memref<1000000x32xf32, #tpu.memory_space<hbm>>) target(%dma_start3A_1083 : memref<128x32xf32, #tpu.memory_space<vmem>>) offsets(%dma_start3A_1086 : memref<128xi32, #tpu.memory_space<vmem>>) semaphore(%arg8 : memref<!tpu.dma_semaphore, #tpu.memory_space<semaphore_mem>>)
      %dma_start3A_1090 = arith.constant 5 : i32
      %dma_start3A_1091 = arith.constant 640 : i32
      %dma_start3A_1092 = arith.constant 0 : i32
      %dma_start3A_1093 = tpu.memref_slice %arg7[%dma_start3A_1091, %dma_start3A_1092] : memref<1024x32xf32, #tpu.memory_space<vmem>> -> memref<128x32xf32, #tpu.memory_space<vmem>>
      %dma_start3A_1094 = arith.constant 0 : i32
      %dma_start3A_1095 = tpu.memref_slice %arg6[%dma_start3A_1090, %dma_start3A_1094] : memref<8x128xi32, #tpu.memory_space<vmem>> -> memref<1x128xi32, #tpu.memory_space<vmem>>
      %dma_start3A_1096 = tpu.memref_squeeze %dma_start3A_1095 : memref<1x128xi32, #tpu.memory_space<vmem>> -> memref<128xi32, #tpu.memory_space<vmem>>
      %dma_start3A_1097 = arith.constant 0 : i32
      %dma_start3A_1098 = arith.constant 0 : i32
      %dma_start3A_1099 = tpu.memref_slice %arg2[%dma_start3A_1097, %dma_start3A_1098] : memref<1000000x32xf32, #tpu.memory_space<hbm>> -> memref<1000000x32xf32, #tpu.memory_space<hbm>>
      tpu.enqueue_indirect_dma source(%dma_start3A_1099 : memref<1000000x32xf32, #tpu.memory_space<hbm>>) target(%dma_start3A_1093 : memref<128x32xf32, #tpu.memory_space<vmem>>) offsets(%dma_start3A_1096 : memref<128xi32, #tpu.memory_space<vmem>>) semaphore(%arg8 : memref<!tpu.dma_semaphore, #tpu.memory_space<semaphore_mem>>)
      %dma_start3A_1100 = arith.constant 6 : i32
      %dma_start3A_1101 = arith.constant 768 : i32
      %dma_start3A_1102 = arith.constant 0 : i32
      %dma_start3A_1103 = tpu.memref_slice %arg7[%dma_start3A_1101, %dma_start3A_1102] : memref<1024x32xf32, #tpu.memory_space<vmem>> -> memref<128x32xf32, #tpu.memory_space<vmem>>
      %dma_start3A_1104 = arith.constant 0 : i32
      %dma_start3A_1105 = tpu.memref_slice %arg6[%dma_start3A_1100, %dma_start3A_1104] : memref<8x128xi32, #tpu.memory_space<vmem>> -> memref<1x128xi32, #tpu.memory_space<vmem>>
      %dma_start3A_1106 = tpu.memref_squeeze %dma_start3A_1105 : memref<1x128xi32, #tpu.memory_space<vmem>> -> memref<128xi32, #tpu.memory_space<vmem>>
      %dma_start3A_1107 = arith.constant 0 : i32
      %dma_start3A_1108 = arith.constant 0 : i32
      %dma_start3A_1109 = tpu.memref_slice %arg2[%dma_start3A_1107, %dma_start3A_1108] : memref<1000000x32xf32, #tpu.memory_space<hbm>> -> memref<1000000x32xf32, #tpu.memory_space<hbm>>
      tpu.enqueue_indirect_dma source(%dma_start3A_1109 : memref<1000000x32xf32, #tpu.memory_space<hbm>>) target(%dma_start3A_1103 : memref<128x32xf32, #tpu.memory_space<vmem>>) offsets(%dma_start3A_1106 : memref<128xi32, #tpu.memory_space<vmem>>) semaphore(%arg8 : memref<!tpu.dma_semaphore, #tpu.memory_space<semaphore_mem>>)
      %dma_start3A_1110 = arith.constant 7 : i32
      %dma_start3A_1111 = arith.constant 896 : i32
      %dma_start3A_1112 = arith.constant 0 : i32
      %dma_start3A_1113 = tpu.memref_slice %arg7[%dma_start3A_1111, %dma_start3A_1112] : memref<1024x32xf32, #tpu.memory_space<vmem>> -> memref<128x32xf32, #tpu.memory_space<vmem>>
      %dma_start3A_1114 = arith.constant 0 : i32
      %dma_start3A_1115 = tpu.memref_slice %arg6[%dma_start3A_1110, %dma_start3A_1114] : memref<8x128xi32, #tpu.memory_space<vmem>> -> memref<1x128xi32, #tpu.memory_space<vmem>>
      %dma_start3A_1116 = tpu.memref_squeeze %dma_start3A_1115 : memref<1x128xi32, #tpu.memory_space<vmem>> -> memref<128xi32, #tpu.memory_space<vmem>>
      %dma_start3A_1117 = arith.constant 0 : i32
      %dma_start3A_1118 = arith.constant 0 : i32
      %dma_start3A_1119 = tpu.memref_slice %arg2[%dma_start3A_1117, %dma_start3A_1118] : memref<1000000x32xf32, #tpu.memory_space<hbm>> -> memref<1000000x32xf32, #tpu.memory_space<hbm>>
      tpu.enqueue_indirect_dma source(%dma_start3A_1119 : memref<1000000x32xf32, #tpu.memory_space<hbm>>) target(%dma_start3A_1113 : memref<128x32xf32, #tpu.memory_space<vmem>>) offsets(%dma_start3A_1116 : memref<128xi32, #tpu.memory_space<vmem>>) semaphore(%arg8 : memref<!tpu.dma_semaphore, #tpu.memory_space<semaphore_mem>>)
      %dma_wait3A = arith.constant 0 : i32
      %dma_wait3A_1120 = arith.constant 0 : i32
      %dma_wait3A_1121 = arith.constant 0 : i32
      %dma_wait3A_1122 = tpu.memref_slice %arg7[%dma_wait3A_1120, %dma_wait3A_1121] : memref<1024x32xf32, #tpu.memory_space<vmem>> -> memref<128x32xf32, #tpu.memory_space<vmem>>
      %dma_wait3A_1123 = arith.constant 0 : i32
      %dma_wait3A_1124 = tpu.memref_slice %arg6[%dma_wait3A, %dma_wait3A_1123] : memref<8x128xi32, #tpu.memory_space<vmem>> -> memref<1x128xi32, #tpu.memory_space<vmem>>
      %dma_wait3A_1125 = tpu.memref_squeeze %dma_wait3A_1124 : memref<1x128xi32, #tpu.memory_space<vmem>> -> memref<128xi32, #tpu.memory_space<vmem>>
      %dma_wait3A_1126 = arith.constant 0 : i32
      %dma_wait3A_1127 = arith.constant 0 : i32
      %dma_wait3A_1128 = tpu.memref_slice %arg2[%dma_wait3A_1126, %dma_wait3A_1127] : memref<1000000x32xf32, #tpu.memory_space<hbm>> -> memref<1000000x32xf32, #tpu.memory_space<hbm>>
      tpu.wait_indirect_dma semaphore(%arg8 : memref<!tpu.dma_semaphore, #tpu.memory_space<semaphore_mem>>) src(%dma_wait3A_1128 : memref<1000000x32xf32, #tpu.memory_space<hbm>>) dst(%dma_wait3A_1122 : memref<128x32xf32, #tpu.memory_space<vmem>>)
      %dma_wait3A_1129 = arith.constant 1 : i32
      %dma_wait3A_1130 = arith.constant 128 : i32
      %dma_wait3A_1131 = arith.constant 0 : i32
      %dma_wait3A_1132 = tpu.memref_slice %arg7[%dma_wait3A_1130, %dma_wait3A_1131] : memref<1024x32xf32, #tpu.memory_space<vmem>> -> memref<128x32xf32, #tpu.memory_space<vmem>>
      %dma_wait3A_1133 = arith.constant 0 : i32
      %dma_wait3A_1134 = tpu.memref_slice %arg6[%dma_wait3A_1129, %dma_wait3A_1133] : memref<8x128xi32, #tpu.memory_space<vmem>> -> memref<1x128xi32, #tpu.memory_space<vmem>>
      %dma_wait3A_1135 = tpu.memref_squeeze %dma_wait3A_1134 : memref<1x128xi32, #tpu.memory_space<vmem>> -> memref<128xi32, #tpu.memory_space<vmem>>
      %dma_wait3A_1136 = arith.constant 0 : i32
      %dma_wait3A_1137 = arith.constant 0 : i32
      %dma_wait3A_1138 = tpu.memref_slice %arg2[%dma_wait3A_1136, %dma_wait3A_1137] : memref<1000000x32xf32, #tpu.memory_space<hbm>> -> memref<1000000x32xf32, #tpu.memory_space<hbm>>
      tpu.wait_indirect_dma semaphore(%arg8 : memref<!tpu.dma_semaphore, #tpu.memory_space<semaphore_mem>>) src(%dma_wait3A_1138 : memref<1000000x32xf32, #tpu.memory_space<hbm>>) dst(%dma_wait3A_1132 : memref<128x32xf32, #tpu.memory_space<vmem>>)
      %dma_wait3A_1139 = arith.constant 2 : i32
      %dma_wait3A_1140 = arith.constant 256 : i32
      %dma_wait3A_1141 = arith.constant 0 : i32
      %dma_wait3A_1142 = tpu.memref_slice %arg7[%dma_wait3A_1140, %dma_wait3A_1141] : memref<1024x32xf32, #tpu.memory_space<vmem>> -> memref<128x32xf32, #tpu.memory_space<vmem>>
      %dma_wait3A_1143 = arith.constant 0 : i32
      %dma_wait3A_1144 = tpu.memref_slice %arg6[%dma_wait3A_1139, %dma_wait3A_1143] : memref<8x128xi32, #tpu.memory_space<vmem>> -> memref<1x128xi32, #tpu.memory_space<vmem>>
      %dma_wait3A_1145 = tpu.memref_squeeze %dma_wait3A_1144 : memref<1x128xi32, #tpu.memory_space<vmem>> -> memref<128xi32, #tpu.memory_space<vmem>>
      %dma_wait3A_1146 = arith.constant 0 : i32
      %dma_wait3A_1147 = arith.constant 0 : i32
      %dma_wait3A_1148 = tpu.memref_slice %arg2[%dma_wait3A_1146, %dma_wait3A_1147] : memref<1000000x32xf32, #tpu.memory_space<hbm>> -> memref<1000000x32xf32, #tpu.memory_space<hbm>>
      tpu.wait_indirect_dma semaphore(%arg8 : memref<!tpu.dma_semaphore, #tpu.memory_space<semaphore_mem>>) src(%dma_wait3A_1148 : memref<1000000x32xf32, #tpu.memory_space<hbm>>) dst(%dma_wait3A_1142 : memref<128x32xf32, #tpu.memory_space<vmem>>)
      %dma_wait3A_1149 = arith.constant 3 : i32
      %dma_wait3A_1150 = arith.constant 384 : i32
      %dma_wait3A_1151 = arith.constant 0 : i32
      %dma_wait3A_1152 = tpu.memref_slice %arg7[%dma_wait3A_1150, %dma_wait3A_1151] : memref<1024x32xf32, #tpu.memory_space<vmem>> -> memref<128x32xf32, #tpu.memory_space<vmem>>
      %dma_wait3A_1153 = arith.constant 0 : i32
      %dma_wait3A_1154 = tpu.memref_slice %arg6[%dma_wait3A_1149, %dma_wait3A_1153] : memref<8x128xi32, #tpu.memory_space<vmem>> -> memref<1x128xi32, #tpu.memory_space<vmem>>
      %dma_wait3A_1155 = tpu.memref_squeeze %dma_wait3A_1154 : memref<1x128xi32, #tpu.memory_space<vmem>> -> memref<128xi32, #tpu.memory_space<vmem>>
      %dma_wait3A_1156 = arith.constant 0 : i32
      %dma_wait3A_1157 = arith.constant 0 : i32
      %dma_wait3A_1158 = tpu.memref_slice %arg2[%dma_wait3A_1156, %dma_wait3A_1157] : memref<1000000x32xf32, #tpu.memory_space<hbm>> -> memref<1000000x32xf32, #tpu.memory_space<hbm>>
      tpu.wait_indirect_dma semaphore(%arg8 : memref<!tpu.dma_semaphore, #tpu.memory_space<semaphore_mem>>) src(%dma_wait3A_1158 : memref<1000000x32xf32, #tpu.memory_space<hbm>>) dst(%dma_wait3A_1152 : memref<128x32xf32, #tpu.memory_space<vmem>>)
      %dma_wait3A_1159 = arith.constant 4 : i32
      %dma_wait3A_1160 = arith.constant 512 : i32
      %dma_wait3A_1161 = arith.constant 0 : i32
      %dma_wait3A_1162 = tpu.memref_slice %arg7[%dma_wait3A_1160, %dma_wait3A_1161] : memref<1024x32xf32, #tpu.memory_space<vmem>> -> memref<128x32xf32, #tpu.memory_space<vmem>>
      %dma_wait3A_1163 = arith.constant 0 : i32
      %dma_wait3A_1164 = tpu.memref_slice %arg6[%dma_wait3A_1159, %dma_wait3A_1163] : memref<8x128xi32, #tpu.memory_space<vmem>> -> memref<1x128xi32, #tpu.memory_space<vmem>>
      %dma_wait3A_1165 = tpu.memref_squeeze %dma_wait3A_1164 : memref<1x128xi32, #tpu.memory_space<vmem>> -> memref<128xi32, #tpu.memory_space<vmem>>
      %dma_wait3A_1166 = arith.constant 0 : i32
      %dma_wait3A_1167 = arith.constant 0 : i32
      %dma_wait3A_1168 = tpu.memref_slice %arg2[%dma_wait3A_1166, %dma_wait3A_1167] : memref<1000000x32xf32, #tpu.memory_space<hbm>> -> memref<1000000x32xf32, #tpu.memory_space<hbm>>
      tpu.wait_indirect_dma semaphore(%arg8 : memref<!tpu.dma_semaphore, #tpu.memory_space<semaphore_mem>>) src(%dma_wait3A_1168 : memref<1000000x32xf32, #tpu.memory_space<hbm>>) dst(%dma_wait3A_1162 : memref<128x32xf32, #tpu.memory_space<vmem>>)
      %dma_wait3A_1169 = arith.constant 5 : i32
      %dma_wait3A_1170 = arith.constant 640 : i32
      %dma_wait3A_1171 = arith.constant 0 : i32
      %dma_wait3A_1172 = tpu.memref_slice %arg7[%dma_wait3A_1170, %dma_wait3A_1171] : memref<1024x32xf32, #tpu.memory_space<vmem>> -> memref<128x32xf32, #tpu.memory_space<vmem>>
      %dma_wait3A_1173 = arith.constant 0 : i32
      %dma_wait3A_1174 = tpu.memref_slice %arg6[%dma_wait3A_1169, %dma_wait3A_1173] : memref<8x128xi32, #tpu.memory_space<vmem>> -> memref<1x128xi32, #tpu.memory_space<vmem>>
      %dma_wait3A_1175 = tpu.memref_squeeze %dma_wait3A_1174 : memref<1x128xi32, #tpu.memory_space<vmem>> -> memref<128xi32, #tpu.memory_space<vmem>>
      %dma_wait3A_1176 = arith.constant 0 : i32
      %dma_wait3A_1177 = arith.constant 0 : i32
      %dma_wait3A_1178 = tpu.memref_slice %arg2[%dma_wait3A_1176, %dma_wait3A_1177] : memref<1000000x32xf32, #tpu.memory_space<hbm>> -> memref<1000000x32xf32, #tpu.memory_space<hbm>>
      tpu.wait_indirect_dma semaphore(%arg8 : memref<!tpu.dma_semaphore, #tpu.memory_space<semaphore_mem>>) src(%dma_wait3A_1178 : memref<1000000x32xf32, #tpu.memory_space<hbm>>) dst(%dma_wait3A_1172 : memref<128x32xf32, #tpu.memory_space<vmem>>)
      %dma_wait3A_1179 = arith.constant 6 : i32
      %dma_wait3A_1180 = arith.constant 768 : i32
      %dma_wait3A_1181 = arith.constant 0 : i32
      %dma_wait3A_1182 = tpu.memref_slice %arg7[%dma_wait3A_1180, %dma_wait3A_1181] : memref<1024x32xf32, #tpu.memory_space<vmem>> -> memref<128x32xf32, #tpu.memory_space<vmem>>
      %dma_wait3A_1183 = arith.constant 0 : i32
      %dma_wait3A_1184 = tpu.memref_slice %arg6[%dma_wait3A_1179, %dma_wait3A_1183] : memref<8x128xi32, #tpu.memory_space<vmem>> -> memref<1x128xi32, #tpu.memory_space<vmem>>
      %dma_wait3A_1185 = tpu.memref_squeeze %dma_wait3A_1184 : memref<1x128xi32, #tpu.memory_space<vmem>> -> memref<128xi32, #tpu.memory_space<vmem>>
      %dma_wait3A_1186 = arith.constant 0 : i32
      %dma_wait3A_1187 = arith.constant 0 : i32
      %dma_wait3A_1188 = tpu.memref_slice %arg2[%dma_wait3A_1186, %dma_wait3A_1187] : memref<1000000x32xf32, #tpu.memory_space<hbm>> -> memref<1000000x32xf32, #tpu.memory_space<hbm>>
      tpu.wait_indirect_dma semaphore(%arg8 : memref<!tpu.dma_semaphore, #tpu.memory_space<semaphore_mem>>) src(%dma_wait3A_1188 : memref<1000000x32xf32, #tpu.memory_space<hbm>>) dst(%dma_wait3A_1182 : memref<128x32xf32, #tpu.memory_space<vmem>>)
      %dma_wait3A_1189 = arith.constant 7 : i32
      %dma_wait3A_1190 = arith.constant 896 : i32
      %dma_wait3A_1191 = arith.constant 0 : i32
      %dma_wait3A_1192 = tpu.memref_slice %arg7[%dma_wait3A_1190, %dma_wait3A_1191] : memref<1024x32xf32, #tpu.memory_space<vmem>> -> memref<128x32xf32, #tpu.memory_space<vmem>>
      %dma_wait3A_1193 = arith.constant 0 : i32
      %dma_wait3A_1194 = tpu.memref_slice %arg6[%dma_wait3A_1189, %dma_wait3A_1193] : memref<8x128xi32, #tpu.memory_space<vmem>> -> memref<1x128xi32, #tpu.memory_space<vmem>>
      %dma_wait3A_1195 = tpu.memref_squeeze %dma_wait3A_1194 : memref<1x128xi32, #tpu.memory_space<vmem>> -> memref<128xi32, #tpu.memory_space<vmem>>
      %dma_wait3A_1196 = arith.constant 0 : i32
      %dma_wait3A_1197 = arith.constant 0 : i32
      %dma_wait3A_1198 = tpu.memref_slice %arg2[%dma_wait3A_1196, %dma_wait3A_1197] : memref<1000000x32xf32, #tpu.memory_space<hbm>> -> memref<1000000x32xf32, #tpu.memory_space<hbm>>
      tpu.wait_indirect_dma semaphore(%arg8 : memref<!tpu.dma_semaphore, #tpu.memory_space<semaphore_mem>>) src(%dma_wait3A_1198 : memref<1000000x32xf32, #tpu.memory_space<hbm>>) dst(%dma_wait3A_1192 : memref<128x32xf32, #tpu.memory_space<vmem>>)
      %add3A_1199 = arith.addi %mul3A_2, %mul3A_18 : i32
      %mul3A_1200 = arith.constant 128 : i32
      %mul3A_1201 = arith.muli %add3A_1199, %mul3A_1200 : i32
      "tpu.region"() ({
        %run_scoped3A = tpu.sem_alloc : memref<!tpu.dma_semaphore, #tpu.memory_space<semaphore_mem>>
        %dma_start3A_1202 = arith.constant 0 : i32
        %dma_start3A_1203 = tpu.memref_slice %arg4[%mul3A_1201, %dma_start3A_1202] : memref<819200x32xf32, #tpu.memory_space<hbm>> -> memref<1024x32xf32, #tpu.memory_space<hbm>>
        %dma_start3A_1204 = arith.constant 0 : i32
        %dma_start3A_1205 = tpu.memref_slice %arg4[%mul3A_1201, %dma_start3A_1204] : memref<819200x32xf32, #tpu.memory_space<hbm>> -> memref<1024x32xf32, #tpu.memory_space<hbm>>
        tpu.enqueue_dma source(%arg7 : memref<1024x32xf32, #tpu.memory_space<vmem>>) target(%dma_start3A_1205 : memref<1024x32xf32, #tpu.memory_space<hbm>>) target_semaphore(%run_scoped3A : memref<!tpu.dma_semaphore, #tpu.memory_space<semaphore_mem>>)
        %dma_wait3A_1206 = arith.constant 0 : i32
        %dma_wait3A_1207 = tpu.memref_slice %arg4[%mul3A_1201, %dma_wait3A_1206] : memref<819200x32xf32, #tpu.memory_space<hbm>> -> memref<1024x32xf32, #tpu.memory_space<hbm>>
        %dma_wait3A_1208 = arith.constant 0 : i32
        %dma_wait3A_1209 = tpu.memref_slice %arg4[%mul3A_1201, %dma_wait3A_1208] : memref<819200x32xf32, #tpu.memory_space<hbm>> -> memref<1024x32xf32, #tpu.memory_space<hbm>>
        tpu.wait_dma2 semaphore(%run_scoped3A : memref<!tpu.dma_semaphore, #tpu.memory_space<semaphore_mem>>) src(%arg7 : memref<1024x32xf32, #tpu.memory_space<vmem>>) dst(%dma_wait3A_1209 : memref<1024x32xf32, #tpu.memory_space<hbm>>)
        tpu.yield
      }) : () -> ()
    }
    %scan3A_15 = arith.constant 25 : i32
    return
  }
}

module attributes {stable_mosaic.version = 14 : i64} {
  func.func @_mlp_concat_kernel(%arg0: i32, %arg1: i32, %arg2: memref<1x1x256x128xf32, #tpu.memory_space<vmem>>, %arg3: memref<1x16x1024xf32, #tpu.memory_space<vmem>>, %arg4: memref<16x16xf32, #tpu.memory_space<vmem>>, %arg5: memref<16x1xf32, #tpu.memory_space<vmem>>, %arg6: memref<32x16xf32, #tpu.memory_space<vmem>>, %arg7: memref<32x1xf32, #tpu.memory_space<vmem>>, %arg8: memref<1x64x1024xf32, #tpu.memory_space<vmem>>) attributes {dimension_semantics = [#tpu.dimension_semantics<arbitrary>, #tpu.dimension_semantics<arbitrary>], iteration_bounds = array<i64: 50, 16>, scalar_prefetch = 0 : i64, scratch_operands = 0 : i64, tpu.core_type = #tpu.core_type<tc>, window_params = [{transform_indices = @transform_0, window_bounds = array<i64: 1, 1, 256, 128>}, {transform_indices = @transform_1, window_bounds = array<i64: 1, 16, 1024>}, {pipeline_mode = #tpu.pipeline_mode<synchronous>, transform_indices = @transform_2, window_bounds = array<i64: 16, 16>}, {pipeline_mode = #tpu.pipeline_mode<synchronous>, transform_indices = @transform_3, window_bounds = array<i64: 16, 1>}, {pipeline_mode = #tpu.pipeline_mode<synchronous>, transform_indices = @transform_4, window_bounds = array<i64: 32, 16>}, {pipeline_mode = #tpu.pipeline_mode<synchronous>, transform_indices = @transform_5, window_bounds = array<i64: 32, 1>}, {transform_indices = @transform_6, window_bounds = array<i64: 1, 64, 1024>}]} {
    %get3A = arith.constant 0 : index
    %get3A_0 = arith.constant 0 : index
    %get3A_1 = arith.constant 0 : index
    %get3A_2 = vector.load %arg3[%get3A, %get3A_0, %get3A_1] : memref<1x16x1024xf32, #tpu.memory_space<vmem>>, vector<1x16x1024xf32>
    %get3A_3 = vector.shape_cast %get3A_2 : vector<1x16x1024xf32> to vector<16x1024xf32>
    %get3A_4 = arith.constant 0 : index
    %get3A_5 = arith.constant 0 : index
    %get3A_6 = vector.load %arg4[%get3A_4, %get3A_5] : memref<16x16xf32, #tpu.memory_space<vmem>>, vector<16x16xf32>
    %dot_general3A = arith.constant dense<0.000000e+00> : vector<16x1024xf32>
    %dot_general3A_7 = tpu.matmul %get3A_6, %get3A_3, %dot_general3A {dimension_numbers = #tpu.dot_dimension_numbers<[1], [0], [0], [1], [0, 0, 1, 1], [], []>, transpose_lhs_hint = false} : vector<16x16xf32>, vector<16x1024xf32>, vector<16x1024xf32> -> vector<16x1024xf32>
    %get3A_8 = arith.constant 0 : index
    %get3A_9 = arith.constant 0 : index
    %get3A_10 = vector.load %arg5[%get3A_8, %get3A_9] : memref<16x1xf32, #tpu.memory_space<vmem>>, vector<16x1xf32>
    %add3A = vector.broadcast %get3A_10 : vector<16x1xf32> to vector<16x1024xf32>
    %add3A_11 = arith.addf %dot_general3A_7, %add3A : vector<16x1024xf32>
    %max3A = arith.constant 0.000000e+00 : f32
    %max3A_12 = vector.broadcast %max3A : f32 to vector<16x1024xf32>
    %max3A_13 = arith.maximumf %add3A_11, %max3A_12 : vector<16x1024xf32>
    %get3A_14 = arith.constant 0 : index
    %get3A_15 = arith.constant 0 : index
    %get3A_16 = vector.load %arg6[%get3A_14, %get3A_15] : memref<32x16xf32, #tpu.memory_space<vmem>>, vector<32x16xf32>
    %dot_general3A_17 = arith.constant dense<0.000000e+00> : vector<32x1024xf32>
    %dot_general3A_18 = tpu.matmul %get3A_16, %max3A_13, %dot_general3A_17 {dimension_numbers = #tpu.dot_dimension_numbers<[1], [0], [0], [1], [0, 0, 1, 1], [], []>, transpose_lhs_hint = false} : vector<32x16xf32>, vector<16x1024xf32>, vector<32x1024xf32> -> vector<32x1024xf32>
    %get3A_19 = arith.constant 0 : index
    %get3A_20 = arith.constant 0 : index
    %get3A_21 = vector.load %arg7[%get3A_19, %get3A_20] : memref<32x1xf32, #tpu.memory_space<vmem>>, vector<32x1xf32>
    %add3A_22 = vector.broadcast %get3A_21 : vector<32x1xf32> to vector<32x1024xf32>
    %add3A_23 = arith.addf %dot_general3A_18, %add3A_22 : vector<32x1024xf32>
    %max3A_24 = arith.constant 0.000000e+00 : f32
    %max3A_25 = vector.broadcast %max3A_24 : f32 to vector<32x1024xf32>
    %max3A_26 = arith.maximumf %add3A_23, %max3A_25 : vector<32x1024xf32>
    %get3A_27 = arith.constant 0 : index
    %get3A_28 = arith.constant 0 : index
    %get3A_29 = arith.constant 0 : index
    %get3A_30 = arith.constant 0 : index
    %get3A_31 = vector.load %arg2[%get3A_27, %get3A_28, %get3A_29, %get3A_30] : memref<1x1x256x128xf32, #tpu.memory_space<vmem>>, vector<1x1x256x128xf32>
    %get3A_32 = vector.shape_cast %get3A_31 : vector<1x1x256x128xf32> to vector<256x128xf32>
    %transpose3A = tpu.transpose %get3A_32, [1, 0] : vector<256x128xf32> -> vector<128x256xf32>
    %slice3A = vector.extract_strided_slice %transpose3A {offsets = [0, 0], sizes = [32, 256], strides = [1, 1]} : vector<128x256xf32> to vector<32x256xf32>
    %slice3A_33 = vector.extract_strided_slice %transpose3A {offsets = [32, 0], sizes = [32, 256], strides = [1, 1]} : vector<128x256xf32> to vector<32x256xf32>
    %slice3A_34 = vector.extract_strided_slice %transpose3A {offsets = [64, 0], sizes = [32, 256], strides = [1, 1]} : vector<128x256xf32> to vector<32x256xf32>
    %slice3A_35 = vector.extract_strided_slice %transpose3A {offsets = [96, 0], sizes = [32, 256], strides = [1, 1]} : vector<128x256xf32> to vector<32x256xf32>
    %concatenate3A = tpu.concatenate %slice3A, %slice3A_33, %slice3A_34, %slice3A_35 in 1 : vector<32x256xf32>, vector<32x256xf32>, vector<32x256xf32>, vector<32x256xf32> -> vector<32x1024xf32>
    %swap3A = arith.constant 0 : index
    %swap3A_36 = arith.constant 0 : index
    %swap3A_37 = arith.constant 0 : index
    %swap3A_38 = vector.load %arg8[%swap3A, %swap3A_36, %swap3A_37] : memref<1x64x1024xf32, #tpu.memory_space<vmem>>, vector<1x32x1024xf32>
    %swap3A_39 = vector.shape_cast %swap3A_38 : vector<1x32x1024xf32> to vector<32x1024xf32>
    %swap3A_40 = vector.shape_cast %concatenate3A : vector<32x1024xf32> to vector<1x32x1024xf32>
    tpu.vector_store %arg8[%swap3A, %swap3A_36, %swap3A_37], %swap3A_40 {strides = array<i32>} : memref<1x64x1024xf32, #tpu.memory_space<vmem>>, vector<1x32x1024xf32>,
    %swap3A_41 = arith.constant 0 : index
    %swap3A_42 = arith.constant 32 : index
    %swap3A_43 = arith.constant 0 : index
    %swap3A_44 = vector.load %arg8[%swap3A_41, %swap3A_42, %swap3A_43] : memref<1x64x1024xf32, #tpu.memory_space<vmem>>, vector<1x32x1024xf32>
    %swap3A_45 = vector.shape_cast %swap3A_44 : vector<1x32x1024xf32> to vector<32x1024xf32>
    %swap3A_46 = vector.shape_cast %max3A_26 : vector<32x1024xf32> to vector<1x32x1024xf32>
    tpu.vector_store %arg8[%swap3A_41, %swap3A_42, %swap3A_43], %swap3A_46 {strides = array<i32>} : memref<1x64x1024xf32, #tpu.memory_space<vmem>>, vector<1x32x1024xf32>,
    return
  }
  func.func @transform_0(%arg0: i32, %arg1: i32) -> (i32, i32, i32, i32) {
    %c0_i32 = arith.constant 0 : i32
    %c0_i32_0 = arith.constant 0 : i32
    %c0_i32_1 = arith.constant 0 : i32
    return %arg0, %arg1, %c0_i32, %c0_i32_0 : i32, i32, i32, i32
  }
  func.func @transform_1(%arg0: i32, %arg1: i32) -> (i32, i32, i32) {
    %c0_i32 = arith.constant 0 : i32
    %c0_i32_0 = arith.constant 0 : i32
    return %arg0, %c0_i32, %arg1 : i32, i32, i32
  }
  func.func @transform_2(%arg0: i32, %arg1: i32) -> (i32, i32) {
    %c0_i32 = arith.constant 0 : i32
    %c0_i32_0 = arith.constant 0 : i32
    %c0_i32_1 = arith.constant 0 : i32
    return %c0_i32, %c0_i32_0 : i32, i32
  }
  func.func @transform_3(%arg0: i32, %arg1: i32) -> (i32, i32) {
    %c0_i32 = arith.constant 0 : i32
    %c0_i32_0 = arith.constant 0 : i32
    %c0_i32_1 = arith.constant 0 : i32
    return %c0_i32, %c0_i32_0 : i32, i32
  }
  func.func @transform_4(%arg0: i32, %arg1: i32) -> (i32, i32) {
    %c0_i32 = arith.constant 0 : i32
    %c0_i32_0 = arith.constant 0 : i32
    %c0_i32_1 = arith.constant 0 : i32
    return %c0_i32, %c0_i32_0 : i32, i32
  }
  func.func @transform_5(%arg0: i32, %arg1: i32) -> (i32, i32) {
    %c0_i32 = arith.constant 0 : i32
    %c0_i32_0 = arith.constant 0 : i32
    %c0_i32_1 = arith.constant 0 : i32
    return %c0_i32, %c0_i32_0 : i32, i32
  }
  func.func @transform_6(%arg0: i32, %arg1: i32) -> (i32, i32, i32) {
    %c0_i32 = arith.constant 0 : i32
    %c0_i32_0 = arith.constant 0 : i32
    return %arg0, %c0_i32, %arg1 : i32, i32, i32
  }
}

</mosaic_0001>

<sc_bundles>
// kernel: kernel.4.cloned.1.call-start
scs
__scs_entry_jumppad:
0x0: {  	(pc) =	sbr.rel $0x88, $3  }
0x1: {  	(tag) =	ssettag $0x0;
	lr =	simm.s32 $0x1  }
0x2: {  	[smem:$0x3F9A] =	sst lr;
	_ =	strace $0xD0000000  }
0x3: {  	_ = 	snop  }
0x4: {  	_ = 	snop  }
0x5: {  	_ = 	snop  }
0x6: {  	_ = 	snop  }
0x7: {  	_ = 	snop  }
__scs_overlays_trampoline_lowered:
0x8: {  	[smem:$0x3FA9] =	sst s0  }
0x9: {  	[smem:$0x3FAA] =	sst s1  }
0xa: {  	[smem:$0x3FAB] =	sst s2  }
0xb: {  	[smem:$0x3FAC] =	sst s3  }
0xc: {  	[smem:$0x3FAD] =	sst s4  }
0xd: {  	[smem:$0x3FAE] =	sst s5  }
0xe: {  	[smem:$0x3FAF] =	sst s6  }
0xf: {  	[smem:$0x3FB0] =	sst s7  }
0x10: {  	[smem:$0x3FB1] =	sst s8  }
0x11: {  	[smem:$0x3FB2] =	sst s9;
	s0 =	simm.s32 @!p0 $0x0  }
0x12: {  	s1 =	sld [smem:$0x3F98];
	s0 =	simm.s32 @p0 $0x1  }
0x13: {  	[smem:$0x3FB3] =	sst s0;
	s0 =	simm.s32 @!p1 $0x0  }
0x14: {  	s2 =	sld [smem:$0x3F97];
	s0 =	simm.s32 @p1 $0x1  }
0x15: {  	[smem:$0x3FB4] =	sst s0;
	s0 =	simm.s32 @!p2 $0x0  }
0x16: {  	s3 =	sld [smem:$0x3FDB];
	s0 =	simm.s32 @p2 $0x1  }
0x17: {  	s4 =	simm.s32 $0x1BF5;
	[smem:$0x3FB6] =	sst s0  }
0x18: {  	s0 =	sld [smem:$0x3F99];
	_ =	swait.ge [sflag:s4], $0x0  }
0x19: {  	s7 =	sld [smem:$0x3F9A]  }
0x1a: {  	s8 =	sadd.s32 $0xFFFFE003, lr  }
0x1b: {  	s9 =	sadd.s32 $0xFFFFFEF7, lr;
	s5 =	simm.s32 $0xFFFFFFFF;
	p2 =	slt.u32 s8, $0xFFFFF086  }
0x1c: {  	p1 =	slt.u32 s9, $0xF7A;
	s5 =	simm.s32 @!p2 $0x0  }
0x1d: {  	s5 =	simm.s32 @p1 $0x1;
	p0 =	seq.s32 s7, s2  }
0x1e: {  	s7 =	smul.u32 @!p0 $0xF7A, s2;
	p2 =	seq.s32 @!p0 s5, $0x0  }
0x1f: {  	s9 =	smul.u32 $0xF7A, s1;
	s8 =	simm.s32 @!p0 $0x1BF5;
	p2 =	por !p2, p0  }
0x20: {  	[sflag:s8] =	ssyncset.s32 @!p0 $0xFFFFF086;
	s6 =	sadd.s32 @!p0 s3, s7;
	s7 =	simm.s32 @!p0 $0x108  }
0x21: {  	s3 =	sadd.s32 s3, s9;
	s6 =	sadd.s32 @!p0 $0x88, s6;
	s7 =	simm.s32 @p2 $0x1082  }
0x22: {  	[simem:s7], [sflag:s8] =	dma.local @!p0 [hbm:s6], $0xF7A  }
0x23: {  	s9 =	sor.u32 $0xD0000000, s2;
	s6 =	simm.s32 $0x108;
	_ =	swait.ge @!p0 [sflag:s8], $0x0  }
0x24: {  	s3 =	sadd.s32 $0x88, s3;
	s6 =	simm.s32 @!p1 $0x1082;
	[sflag:s4] =	ssyncset.s32 $0xFFFFF086  }
0x25: {  	[simem:s6], [sflag:s4] =	dma.local [hbm:s3], $0xF7A  }
0x26: {  	[smem:$0x3F9A] =	sst s1;
	(tag) =	ssettag s2;
	_ =	strace s9  }
0x27: {  	s1 =	sld [smem:$0x3FAA]  }
0x28: {  	s2 =	sld [smem:$0x3FAB]  }
0x29: {  	s4 =	sld [smem:$0x3FAD]  }
0x2a: {  	p0 =	seq.s32 s5, $0x0;
	s5 =	sld [smem:$0x3FAE]  }
0x2b: {  	s6 =	sld [smem:$0x3FAF]  }
0x2c: {  	s7 =	sld [smem:$0x3FB0]  }
0x2d: {  	s3 =	simm.s32 $0x108;
	s8 =	sld [smem:$0x3FB1]  }
0x2e: {  	s3 =	simm.s32 @!p0 $0x1082;
	s9 =	sld [smem:$0x3FB2]  }
0x2f: {  	lr =	sadd.s32 s0, s3;
	s0 =	sld [smem:$0x3FA9]  }
0x30: {  	s3 =	sld [smem:$0x3FAC]  }
0x31: {  	[smem:$0x3FB5] =	sst s10  }
0x32: {  	s10 =	sld [smem:$0x3FB3];
	_ =	sdelay $0x3  }
0x33: {  	p0 =	seq.s32 s10, $0x1;
	s10 =	sld [smem:$0x3FB5];
	_ =	sdelay $0x3  }
0x34: {  	[smem:$0x3FB5] =	sst s10  }
0x35: {  	s10 =	sld [smem:$0x3FB4];
	_ =	sdelay $0x3  }
0x36: {  	p1 =	seq.s32 s10, $0x1;
	s10 =	sld [smem:$0x3FB5];
	_ =	sdelay $0x3  }
0x37: {  	[smem:$0x3FB5] =	sst s10  }
0x38: {  	s10 =	sld [smem:$0x3FB6]  }
0x39: {  	_ = 	snop;
	(pc) =	sbr.ind lr, $3  }
0x3a: {  	_ = 	snop  }
0x3b: {  	_ = 	snop  }
0x3c: {  	p2 =	seq.s32 s10, $0x1;
	s10 =	sld [smem:$0x3FB5]  }
0x3d: {  	_ =	shalt  }
0x3e: {  	_ =	shalt  }
0x3f: {  	_ =	shalt  }
0x40: {  	_ =	shalt  }
0x41: {  	_ =	shalt  }
0x42: {  	_ =	shalt  }
0x43: {  	_ =	shalt  }
0x44: {  	_ =	shalt  }
0x45: {  	_ =	shalt  }
0x46: {  	_ =	shalt  }
0x47: {  	_ =	shalt  }
0x48: {  	_ =	shalt  }
0x49: {  	_ =	shalt  }
0x4a: {  	_ =	shalt  }
0x4b: {  	_ =	shalt  }
0x4c: {  	_ =	shalt  }
0x4d: {  	_ =	shalt  }
0x4e: {  	_ =	shalt  }
0x4f: {  	_ =	shalt  }
0x50: {  	_ =	shalt  }
0x51: {  	_ =	shalt  }
0x52: {  	_ =	shalt  }
0x53: {  	_ =	shalt  }
0x54: {  	_ =	shalt  }
0x55: {  	_ =	shalt  }
0x56: {  	_ =	shalt  }
0x57: {  	_ =	shalt  }
0x58: {  	_ =	shalt  }
0x59: {  	_ =	shalt  }
0x5a: {  	_ =	shalt  }
0x5b: {  	_ =	shalt  }
0x5c: {  	_ =	shalt  }
0x5d: {  	_ =	shalt  }
0x5e: {  	_ =	shalt  }
0x5f: {  	_ =	shalt  }
0x60: {  	_ =	shalt  }
0x61: {  	_ =	shalt  }
0x62: {  	_ =	shalt  }
0x63: {  	_ =	shalt  }
0x64: {  	_ =	shalt  }
0x65: {  	_ =	shalt  }
0x66: {  	_ =	shalt  }
0x67: {  	_ =	shalt  }
0x68: {  	_ =	shalt  }
0x69: {  	_ =	shalt  }
0x6a: {  	_ =	shalt  }
0x6b: {  	_ =	shalt  }
0x6c: {  	_ =	shalt  }
0x6d: {  	_ =	shalt  }
0x6e: {  	_ =	shalt  }
0x6f: {  	_ =	shalt  }
0x70: {  	_ =	shalt  }
0x71: {  	_ =	shalt  }
0x72: {  	_ =	shalt  }
0x73: {  	_ =	shalt  }
0x74: {  	_ =	shalt  }
0x75: {  	_ =	shalt  }
0x76: {  	_ =	shalt  }
0x77: {  	_ =	shalt  }
0x78: {  	_ =	shalt  }
0x79: {  	_ =	shalt  }
0x7a: {  	_ =	shalt  }
0x7b: {  	_ =	shalt  }
0x7c: {  	_ =	shalt  }
0x7d: {  	_ =	shalt  }
0x7e: {  	_ =	shalt  }
0x7f: {  	_ =	shalt  }
0x80: {  	_ =	shalt  }
0x81: {  	_ =	shalt  }
0x82: {  	_ =	shalt  }
0x83: {  	_ =	shalt  }
0x84: {  	_ =	shalt  }
0x85: {  	_ =	shalt  }
0x86: {  	_ =	shalt  }
0x87: {  	_ =	shalt  }
.Lfunc_end0:
.L_simem_size_0:
called_computation_lowered:
.L_overlay_start_0:
0x88: {  	s2 =	sld [smem:$0x3FD9]  }
0x89: {  	s3 =	sld [smem:$0x3FFE];
	_ =	sdelay $0x1  }
0x8a: {  	s1 =	srdreg.scid  }
0x8b: {  	s0 =	sand.u32 $0x1, s1  }
0x8c: {  	s17 =	sshll.u32 s0, $0xA;
	s2 =	sadd.s32 s3, s2  }
0x8d: {  	s2 =	sadd.s32 s2, s17  }
0x8e: {  	[smem:$0x3FC1] =	sst s2  }
0x8f: {  	_ = 	snop  }
0x90: {  	s2 =	sld [smem:$0x3FD0];
	(tm) =	ssettm $0x1  }
0x91: {  	s18 =	sld [smem:$0x3FFB];
	_ =	sdelay $0x3  }
0x92: {  	_ =	strace s18  }
0x93: {  	s3 =	sld [smem:$0x3FFC];
	_ =	sdelay $0x3  }
0x94: {  	_ =	strace s3  }
0x95: {  	s3 =	sld [smem:$0x3FFD];
	_ =	sdelay $0x3  }
0x96: {  	_ =	strace s3  }
0x97: {  	_ =	strace $0x8FFFFFFF  }
0x98: {  	s19 =	sld [smem:$0x3FDB];
	_ =	sdelay $0x1  }
0x99: {  	s4 =	simm.s32 $_scs_section_size  }
0x9a: {  	s5 =	simm.s32 $_size__tile_overlayer_lowered;
	s6 =	simm.s32 $_tile_overlayer_lowered  }
0x9b: {  	s22 =	simm.s32 $0x1BFF;
	s21 =	sshll.u32 s6, $0x1;
	s3 =	sadd.s32 s4, s19  }
0x9c: {  	s7 =	simm.s32 $0x0;
	s20 =	sshll.u32 s5, $0x1;
	s5 =	sadd.s32 s21, s3  }
0x9d: {  	[timem:s7], [sflag:s22] =	dma.local [hbm:s5], s20  }
0x9e: {  	_ =	swait.ge [sflag:s22], s20  }
0x9f: {  	s4 =	ssub.s32 $0x0, s20;
	[sflag:s22] =	ssyncset.done $0x0  }
0xa0: {  	[sflag:s22] =	ssyncadd.s32 s4;
	_ =	sdelay $0x1  }
0xa1: {  	s23 =	simm.s32 $0x1B8B  }
0xa2: {  	_ =	swait.ge [sflag:s23], $0x1  }
0xa3: {  	[sflag:s23] =	ssyncset.done $0x0  }
0xa4: {  	s25 =	simm.s32 $0x1B8E;
	s24 =	sld [smem:$0x3FFE];
	[sflag:s23] =	ssyncadd.s32 $0xFFFFFFFF  }
0xa5: {  	s26 =	simm.s32 $execute0_lowered;
	[smem:$0x3FD2] =	sst s25  }
0xa6: {  	s5 =	sshll.u32 s26, $0x1;
	_ =	strace $0x80000046;
	[dreg:$0x1] =	wrdreg $0xFFFFFFFF  }
0xa7: {  	s28 =	simm.s32 $_size_execute0_lowered;
	s3 =	sadd.s32 s3, s5;
	[dreg:$0x0] =	wrdreg $0x0  }
0xa8: {  	s5 =	sshll.u32 s28, $0x1;
	[dreg:$0x2] =	wrdreg s3  }
0xa9: {  	[dreg:$0x3] =	wrdreg s5  }
0xaa: {  	[dreg:$0x4] =	wrdreg $0xC0  }
0xab: {  	_ =	task [dreg:s7], $0x5FFFF  }
0xac: {  	[dreg:$0x1] =	wrdreg $0xFFFFFFFF  }
0xad: {  	[dreg:$0x0] =	wrdreg $0x60  }
0xae: {  	[dreg:$0x2] =	wrdreg s2  }
0xaf: {  	[dreg:$0x3] =	wrdreg s24  }
0xb0: {  	[dreg:$0x4] =	wrdreg $0x9  }
0xb1: {  	_ =	task.clear_ibuf [dreg:s7], $0x5FFFF;
	_ =	strace $0x90000046  }
0xb2: {  	s29 =	simm.s32 $0x9;
	_ =	strace $0x80000048  }
0xb3: {  	_ =	swait.ge [sflag:s29], $0x1  }
0xb4: {  	[sflag:s29] =	ssyncadd.s32 $0xFFFFFFFF  }
0xb5: {  	_ =	strace $0x90000048  }
0xb6: {  	_ =	sfence  }
0xb7: {  	s30 =	sld [smem:$0x0];
	_ =	sdelay $0x2  }
0xb8: {  	s31 =	sshll.u32 s1, $0xD;
	s1 =	sshrl.u32 s1, $0x2  }
0xb9: {  	s3 =	sand.u32 $0x4000, s31;
	s1 =	sadd.s32 s1, s30  }
0xba: {  	s0 =	sor.u32 s3, s0;
	s1 =	sshll.u32 s1, $0x11  }
0xbb: {  	s0 =	sor.u32 s1, s0  }
0xbc: {  	s0 =	sadd.s32 $0x8F2B, s0  }
0xbd: {  	[sflag:s0] =	ssyncadd.remote.s32 $0x1  }
0xbe: {  	_ =	sfence.sel $0xFFFF  }
0xbf: {  	[dreg:$0x0] =	wrdreg $0xFFFFFFFF;
	(pc) =	sbr.abs _section_cstart, $3  }
0xc0: {  	[dreg:$0x1] =	wrdreg $0xFFFFFFFF  }
0xc1: {  	_ =	task.clear_ibuf [dreg:s7], $0x2FFFF;
	_ =	strace $0x9FFFFFFF  }
0xc2: {  	(tm) =	ssettm $0x7FFFFFFF  }
0xc3: {  	_ =	shalt  }
tec
execute0_lowered:
.L_overlay_start_1:
0x0: {  	(tag) =	ssettag $0x1  }
0x1: {  	s2 =	srdreg.scid;
	s1 =	rddreg [dreg:$0x0]  }
0x2: {  	s0 =	stileid.u32;
	s5 =	rddreg [dreg:$0x1]  }
0x3: {  	v1 =	vlaneseq.u32;
	s3 =	simm.s32 $0x0;
	s11 =	simm.s32 $0x6480;
	s12 =	simm.s32 $0x7800  }
0x4: {  	s13 =	simm.s32 $0x6500;
	s14 =	simm.s32 $0x8800;
	s15 =	simm.s32 $0x6580;
	v0 =	vand.u32 $0x3, v1;
	v1 =	vshrl.u32 v1, $0x2  }
0x5: {  	s16 =	simm.s32 $0x9800;
	s17 =	simm.s32 $0x6600;
	s18 =	simm.s32 $0xA800;
	v0 =	vmul.u32 $0x100, v0;
	v3 =	vor.u32 $0x4, v1;
	v4 =	vor.u32 $0x8, v1  }
0x6: {  	s19 =	simm.s32 $0x6680;
	s20 =	simm.s32 $0xB800;
	s21 =	simm.s32 $0x6700;
	v5 =	vor.u32 $0xC, v1;
	v6 =	vor.u32 $0x10, v1;
	v7 =	vor.u32 $0x14, v1  }
0x7: {  	s22 =	simm.s32 $0xC800;
	s23 =	simm.s32 $0x6780;
	s24 =	simm.s32 $0xD800;
	v8 =	vor.u32 $0x18, v1;
	v9 =	vor.u32 $0x1C, v1;
	v10 =	vor.u32 $0x20, v1  }
0x8: {  	s25 =	simm.s32 $0x1;
	s26 =	simm.s32 $0x0;
	s4 =	sand.u32 $0x1, s2;
	v11 =	vor.u32 $0x24, v1;
	v12 =	vor.u32 $0x28, v1;
	v13 =	vor.u32 $0x2C, v1  }
0x9: {  	s28 =	sshll.u32 s0, $0x1;
	s2 =	rddreg [dreg:$0x2];
	s7 =	smul.u32 $0x32000, s0;
	v14 =	vor.u32 $0x30, v1;
	v15 =	vor.u32 $0x34, v1;
	v16 =	vor.u32 $0x38, v1  }
0xa: {  	[smem:$0x7FF] =	sst s3;
	s6 =	sor.u32 s4, s28;
	s10 =	smul.u32 $0x19000, s4;
	v17 =	vor.u32 $0x3C, v1;
	v18 =	vor.u32 $0x40, v1;
	v19 =	vor.u32 $0x44, v1  }
0xb: {  	s8 =	ssub.s32 $0x2, s4;
	_ =	strace $0x80000047;
	v20 =	vor.u32 $0x48, v1;
	v21 =	vor.u32 $0x4C, v1;
	v22 =	vor.u32 $0x50, v1;
	s6 =	smul.u32 $0xC80, s6  }
0xc: {  	v23 =	vor.u32 $0x54, v1;
	v24 =	vor.u32 $0x58, v1;
	v25 =	vor.u32 $0x5C, v1;
	s9 =	sshrl.u32 s8, $0x1;
	s30 =	sadd.s32 s7, s5;
	s7 =	simm.s32 $0x2  }
0xd: {  	v26 =	vor.u32 $0x60, v1;
	v27 =	vor.u32 $0x64, v1;
	v28 =	vor.u32 $0x68, v1;
	s31 =	ssub.s32 s8, s9;
	s8 =	simm.s32 $0x80;
	s9 =	simm.s32 $0x6400  }
0xe: {  	v29 =	vor.u32 $0x6C, v1;
	v30 =	vor.u32 $0x70, v1;
	v31 =	vor.u32 $0x74, v1;
	s29 =	sadd.s32 s6, s5;
	s5 =	smax.u32 s31, $0x1;
	s6 =	sadd.s32 s10, s30  }
0xf: {  	v32 =	vor.u32 $0x78, v1;
	v33 =	vor.u32 $0x7C, v1;
	v2 =	vor.u32 $0x80, v0;
	s10 =	simm.s32 $0x6800;
	s4 =	sadd.s32 $0xE00, s29;
	s6 =	sadd.s32 $0x19E00, s6  }
.LBB2_1:
0x10: {  	[tilespmem:s3], [sflag:$0x2] =	stream.linear.gather [hbm4b:s4+s3], $0x6400, $0x38;
	[tilespmem:$0xE800] =	vst v63  }
0x11: {  	_ =	swait.ge [sflag:s7], $0x6400  }
0x12: {  	[sflag:s7] =	ssyncset.done $0x0  }
0x13: {  	s28 =	smov.u32 s6;
	s29 =	simm.s32 $0x0;
	[sflag:s7] =	ssyncadd.s32 $0xFFFF9C00  }
.LBB2_2:
0x14: {  	v34 =	vmov s29  }
0x15: {  	v34 =	vshll.u32 v34, $0x7  }
0x16: {  	v35 =	vor.u32 v0, v34  }
0x17: {  	v36 =	vor.u32 v1, v35;
	_ =	sdelay $0x4  }
0x18: {  	v36 =	vld.idx.msk [tilespmem:v36+s3+$0x0], $0xffff  }
0x19: {  	v37 =	vor.u32 v3, v35;
	_ =	sdelay $0x3  }
0x1a: {  	[tilespmem:$0x6400] =	vst v36  }
0x1b: {  	v36 =	vld.idx.msk [tilespmem:v37+s3+$0x0], $0xffff  }
0x1c: {  	v52 =	vor.u32 v4, v35;
	_ =	sdelay $0x3  }
0x1d: {  	[tilespmem:$0x6410] =	vst v36  }
0x1e: {  	v36 =	vld.idx.msk [tilespmem:v52+s3+$0x0], $0xffff  }
0x1f: {  	v53 =	vor.u32 v5, v35;
	_ =	sdelay $0x3  }
0x20: {  	[tilespmem:$0x6420] =	vst v36  }
0x21: {  	v36 =	vld.idx.msk [tilespmem:v53+s3+$0x0], $0xffff  }
0x22: {  	v54 =	vor.u32 v6, v35;
	_ =	sdelay $0x3  }
0x23: {  	[tilespmem:$0x6430] =	vst v36  }
0x24: {  	v36 =	vld.idx.msk [tilespmem:v54+s3+$0x0], $0xffff  }
0x25: {  	v55 =	vor.u32 v7, v35;
	_ =	sdelay $0x3  }
0x26: {  	[tilespmem:$0x6440] =	vst v36  }
0x27: {  	v36 =	vld.idx.msk [tilespmem:v55+s3+$0x0], $0xffff  }
0x28: {  	v56 =	vor.u32 v8, v35;
	_ =	sdelay $0x3  }
0x29: {  	[tilespmem:$0x6450] =	vst v36  }
0x2a: {  	v36 =	vld.idx.msk [tilespmem:v56+s3+$0x0], $0xffff  }
0x2b: {  	v57 =	vor.u32 v9, v35;
	_ =	sdelay $0x3  }
0x2c: {  	[tilespmem:$0x6460] =	vst v36  }
0x2d: {  	v36 =	vld.idx.msk [tilespmem:v57+s3+$0x0], $0xffff  }
0x2e: {  	v58 =	vor.u32 v10, v35;
	_ =	sdelay $0x3  }
0x2f: {  	[tilespmem:$0x6470] =	vst v36  }
0x30: {  	v36 =	vld.idx.msk [tilespmem:v58+s3+$0x0], $0xffff  }
0x31: {  	v59 =	vor.u32 v11, v35;
	_ =	sdelay $0x3  }
0x32: {  	[tilespmem:$0x6480] =	vst v36  }
0x33: {  	v36 =	vld.idx.msk [tilespmem:v59+s3+$0x0], $0xffff  }
0x34: {  	v60 =	vor.u32 v12, v35;
	_ =	sdelay $0x3  }
0x35: {  	[tilespmem:$0x6490] =	vst v36  }
0x36: {  	v36 =	vld.idx.msk [tilespmem:v60+s3+$0x0], $0xffff  }
0x37: {  	v61 =	vor.u32 v13, v35;
	_ =	sdelay $0x3  }
0x38: {  	[tilespmem:$0x64A0] =	vst v36  }
0x39: {  	v36 =	vld.idx.msk [tilespmem:v61+s3+$0x0], $0xffff  }
0x3a: {  	v62 =	vor.u32 v14, v35;
	_ =	sdelay $0x3  }
0x3b: {  	[tilespmem:$0x64B0] =	vst v36  }
0x3c: {  	v36 =	vld.idx.msk [tilespmem:v62+s3+$0x0], $0xffff  }
0x3d: {  	v63 =	vor.u32 v15, v35;
	_ =	sdelay $0x3  }
0x3e: {  	[tilespmem:$0x64C0] =	vst v36  }
0x3f: {  	v36 =	vld.idx.msk [tilespmem:v63+s3+$0x0], $0xffff  }
0x40: {  	v40 =	vor.u32 v16, v35;
	_ =	sdelay $0x3  }
0x41: {  	[tilespmem:$0x64D0] =	vst v36  }
0x42: {  	v36 =	vld.idx.msk [tilespmem:v40+s3+$0x0], $0xffff  }
0x43: {  	v41 =	vor.u32 v17, v35;
	_ =	sdelay $0x3  }
0x44: {  	[tilespmem:$0x64E0] =	vst v36  }
0x45: {  	v36 =	vld.idx.msk [tilespmem:v41+s3+$0x0], $0xffff  }
0x46: {  	v42 =	vor.u32 v18, v35;
	_ =	sdelay $0x3  }
0x47: {  	[tilespmem:$0x64F0] =	vst v36  }
0x48: {  	v36 =	vld.idx.msk [tilespmem:v42+s3+$0x0], $0xffff  }
0x49: {  	v43 =	vor.u32 v19, v35;
	_ =	sdelay $0x3  }
0x4a: {  	[tilespmem:$0x6500] =	vst v36  }
0x4b: {  	v36 =	vld.idx.msk [tilespmem:v43+s3+$0x0], $0xffff  }
0x4c: {  	v44 =	vor.u32 v20, v35;
	_ =	sdelay $0x3  }
0x4d: {  	[tilespmem:$0x6510] =	vst v36  }
0x4e: {  	v36 =	vld.idx.msk [tilespmem:v44+s3+$0x0], $0xffff  }
0x4f: {  	v45 =	vor.u32 v21, v35;
	_ =	sdelay $0x3  }
0x50: {  	[tilespmem:$0x6520] =	vst v36  }
0x51: {  	v36 =	vld.idx.msk [tilespmem:v45+s3+$0x0], $0xffff  }
0x52: {  	v46 =	vor.u32 v22, v35;
	_ =	sdelay $0x3  }
0x53: {  	[tilespmem:$0x6530] =	vst v36  }
0x54: {  	v36 =	vld.idx.msk [tilespmem:v46+s3+$0x0], $0xffff  }
0x55: {  	v47 =	vor.u32 v23, v35;
	_ =	sdelay $0x3  }
0x56: {  	[tilespmem:$0x6540] =	vst v36  }
0x57: {  	v36 =	vld.idx.msk [tilespmem:v47+s3+$0x0], $0xffff  }
0x58: {  	v48 =	vor.u32 v24, v35;
	_ =	sdelay $0x3  }
0x59: {  	[tilespmem:$0x6550] =	vst v36  }
0x5a: {  	v36 =	vld.idx.msk [tilespmem:v48+s3+$0x0], $0xffff  }
0x5b: {  	v49 =	vor.u32 v25, v35;
	_ =	sdelay $0x3  }
0x5c: {  	[tilespmem:$0x6560] =	vst v36  }
0x5d: {  	v36 =	vld.idx.msk [tilespmem:v49+s3+$0x0], $0xffff  }
0x5e: {  	v50 =	vor.u32 v26, v35;
	_ =	sdelay $0x3  }
0x5f: {  	[tilespmem:$0x6570] =	vst v36  }
0x60: {  	v36 =	vld.idx.msk [tilespmem:v50+s3+$0x0], $0xffff  }
0x61: {  	v51 =	vor.u32 v27, v35;
	_ =	sdelay $0x3  }
0x62: {  	[tilespmem:$0x6580] =	vst v36  }
0x63: {  	v36 =	vld.idx.msk [tilespmem:v51+s3+$0x0], $0xffff  }
0x64: {  	v52 =	vor.u32 v28, v35;
	_ =	sdelay $0x3  }
0x65: {  	[tilespmem:$0x6590] =	vst v36  }
0x66: {  	v36 =	vld.idx.msk [tilespmem:v52+s3+$0x0], $0xffff  }
0x67: {  	v53 =	vor.u32 v29, v35;
	_ =	sdelay $0x3  }
0x68: {  	[tilespmem:$0x65A0] =	vst v36  }
0x69: {  	v36 =	vld.idx.msk [tilespmem:v53+s3+$0x0], $0xffff  }
0x6a: {  	v54 =	vor.u32 v30, v35;
	_ =	sdelay $0x3  }
0x6b: {  	[tilespmem:$0x65B0] =	vst v36  }
0x6c: {  	v36 =	vld.idx.msk [tilespmem:v54+s3+$0x0], $0xffff  }
0x6d: {  	v55 =	vor.u32 v31, v35;
	_ =	sdelay $0x3  }
0x6e: {  	[tilespmem:$0x65C0] =	vst v36  }
0x6f: {  	v36 =	vld.idx.msk [tilespmem:v55+s3+$0x0], $0xffff  }
0x70: {  	v56 =	vor.u32 v32, v35;
	_ =	sdelay $0x3  }
0x71: {  	[tilespmem:$0x65D0] =	vst v36  }
0x72: {  	v36 =	vld.idx.msk [tilespmem:v56+s3+$0x0], $0xffff  }
0x73: {  	v35 =	vor.u32 v33, v35;
	_ =	sdelay $0x3  }
0x74: {  	[tilespmem:$0x65E0] =	vst v36  }
0x75: {  	v34 =	vor.u32 v2, v34;
	v35 =	vld.idx.msk [tilespmem:v35+s3+$0x0], $0xffff  }
0x76: {  	v57 =	vor.u32 v1, v34;
	_ =	sdelay $0x3  }
0x77: {  	[tilespmem:$0x65F0] =	vst v35  }
0x78: {  	v35 =	vld.idx.msk [tilespmem:v57+s3+$0x0], $0xffff  }
0x79: {  	v58 =	vor.u32 v3, v34;
	_ =	sdelay $0x3  }
0x7a: {  	[tilespmem:$0x6600] =	vst v35  }
0x7b: {  	v35 =	vld.idx.msk [tilespmem:v58+s3+$0x0], $0xffff  }
0x7c: {  	v59 =	vor.u32 v4, v34;
	_ =	sdelay $0x3  }
0x7d: {  	[tilespmem:$0x6610] =	vst v35  }
0x7e: {  	v35 =	vld.idx.msk [tilespmem:v59+s3+$0x0], $0xffff  }
0x7f: {  	v60 =	vor.u32 v5, v34;
	_ =	sdelay $0x3  }
0x80: {  	[tilespmem:$0x6620] =	vst v35  }
0x81: {  	v35 =	vld.idx.msk [tilespmem:v60+s3+$0x0], $0xffff  }
0x82: {  	v61 =	vor.u32 v6, v34;
	_ =	sdelay $0x3  }
0x83: {  	[tilespmem:$0x6630] =	vst v35  }
0x84: {  	v35 =	vld.idx.msk [tilespmem:v61+s3+$0x0], $0xffff  }
0x85: {  	v62 =	vor.u32 v7, v34;
	_ =	sdelay $0x3  }
0x86: {  	[tilespmem:$0x6640] =	vst v35  }
0x87: {  	v35 =	vld.idx.msk [tilespmem:v62+s3+$0x0], $0xffff  }
0x88: {  	v63 =	vor.u32 v8, v34;
	_ =	sdelay $0x3  }
0x89: {  	[tilespmem:$0x6650] =	vst v35  }
0x8a: {  	v35 =	vld.idx.msk [tilespmem:v63+s3+$0x0], $0xffff  }
0x8b: {  	v40 =	vor.u32 v9, v34;
	_ =	sdelay $0x3  }
0x8c: {  	[tilespmem:$0x6660] =	vst v35  }
0x8d: {  	v35 =	vld.idx.msk [tilespmem:v40+s3+$0x0], $0xffff  }
0x8e: {  	v41 =	vor.u32 v10, v34;
	_ =	sdelay $0x3  }
0x8f: {  	[tilespmem:$0x6670] =	vst v35  }
0x90: {  	v35 =	vld.idx.msk [tilespmem:v41+s3+$0x0], $0xffff  }
0x91: {  	v42 =	vor.u32 v11, v34;
	_ =	sdelay $0x3  }
0x92: {  	[tilespmem:$0x6680] =	vst v35  }
0x93: {  	v35 =	vld.idx.msk [tilespmem:v42+s3+$0x0], $0xffff  }
0x94: {  	v43 =	vor.u32 v12, v34;
	_ =	sdelay $0x3  }
0x95: {  	[tilespmem:$0x6690] =	vst v35  }
0x96: {  	v35 =	vld.idx.msk [tilespmem:v43+s3+$0x0], $0xffff  }
0x97: {  	v44 =	vor.u32 v13, v34;
	_ =	sdelay $0x3  }
0x98: {  	[tilespmem:$0x66A0] =	vst v35  }
0x99: {  	v35 =	vld.idx.msk [tilespmem:v44+s3+$0x0], $0xffff  }
0x9a: {  	v45 =	vor.u32 v14, v34;
	_ =	sdelay $0x3  }
0x9b: {  	[tilespmem:$0x66B0] =	vst v35  }
0x9c: {  	v35 =	vld.idx.msk [tilespmem:v45+s3+$0x0], $0xffff  }
0x9d: {  	v46 =	vor.u32 v15, v34;
	_ =	sdelay $0x3  }
0x9e: {  	[tilespmem:$0x66C0] =	vst v35  }
0x9f: {  	v35 =	vld.idx.msk [tilespmem:v46+s3+$0x0], $0xffff  }
0xa0: {  	v47 =	vor.u32 v16, v34;
	_ =	sdelay $0x3  }
0xa1: {  	[tilespmem:$0x66D0] =	vst v35  }
0xa2: {  	v35 =	vld.idx.msk [tilespmem:v47+s3+$0x0], $0xffff  }
0xa3: {  	v48 =	vor.u32 v17, v34;
	_ =	sdelay $0x3  }
0xa4: {  	[tilespmem:$0x66E0] =	vst v35  }
0xa5: {  	v35 =	vld.idx.msk [tilespmem:v48+s3+$0x0], $0xffff  }
0xa6: {  	v49 =	vor.u32 v18, v34;
	_ =	sdelay $0x3  }
0xa7: {  	[tilespmem:$0x66F0] =	vst v35  }
0xa8: {  	v35 =	vld.idx.msk [tilespmem:v49+s3+$0x0], $0xffff  }
0xa9: {  	v50 =	vor.u32 v19, v34;
	_ =	sdelay $0x3  }
0xaa: {  	[tilespmem:$0x6700] =	vst v35  }
0xab: {  	v35 =	vld.idx.msk [tilespmem:v50+s3+$0x0], $0xffff  }
0xac: {  	v51 =	vor.u32 v20, v34;
	_ =	sdelay $0x3  }
0xad: {  	[tilespmem:$0x6710] =	vst v35  }
0xae: {  	v35 =	vld.idx.msk [tilespmem:v51+s3+$0x0], $0xffff  }
0xaf: {  	v52 =	vor.u32 v21, v34;
	_ =	sdelay $0x3  }
0xb0: {  	[tilespmem:$0x6720] =	vst v35  }
0xb1: {  	v35 =	vld.idx.msk [tilespmem:v52+s3+$0x0], $0xffff  }
0xb2: {  	v53 =	vor.u32 v22, v34;
	_ =	sdelay $0x3  }
0xb3: {  	[tilespmem:$0x6730] =	vst v35  }
0xb4: {  	v35 =	vld.idx.msk [tilespmem:v53+s3+$0x0], $0xffff  }
0xb5: {  	v54 =	vor.u32 v23, v34;
	_ =	sdelay $0x3  }
0xb6: {  	[tilespmem:$0x6740] =	vst v35  }
0xb7: {  	v35 =	vld.idx.msk [tilespmem:v54+s3+$0x0], $0xffff  }
0xb8: {  	v55 =	vor.u32 v24, v34;
	_ =	sdelay $0x3  }
0xb9: {  	[tilespmem:$0x6750] =	vst v35  }
0xba: {  	v35 =	vld.idx.msk [tilespmem:v55+s3+$0x0], $0xffff  }
0xbb: {  	v56 =	vor.u32 v25, v34;
	_ =	sdelay $0x3  }
0xbc: {  	[tilespmem:$0x6760] =	vst v35  }
0xbd: {  	v35 =	vld.idx.msk [tilespmem:v56+s3+$0x0], $0xffff  }
0xbe: {  	v57 =	vor.u32 v26, v34;
	_ =	sdelay $0x3  }
0xbf: {  	[tilespmem:$0x6770] =	vst v35  }
0xc0: {  	v35 =	vld.idx.msk [tilespmem:v57+s3+$0x0], $0xffff  }
0xc1: {  	v58 =	vor.u32 v27, v34;
	_ =	sdelay $0x3  }
0xc2: {  	[tilespmem:$0x6780] =	vst v35  }
0xc3: {  	v35 =	vld.idx.msk [tilespmem:v58+s3+$0x0], $0xffff  }
0xc4: {  	v59 =	vor.u32 v28, v34;
	_ =	sdelay $0x3  }
0xc5: {  	[tilespmem:$0x6790] =	vst v35  }
0xc6: {  	v35 =	vld.idx.msk [tilespmem:v59+s3+$0x0], $0xffff  }
0xc7: {  	v60 =	vor.u32 v29, v34;
	_ =	sdelay $0x3  }
0xc8: {  	[tilespmem:$0x67A0] =	vst v35  }
0xc9: {  	v35 =	vld.idx.msk [tilespmem:v60+s3+$0x0], $0xffff  }
0xca: {  	v61 =	vor.u32 v30, v34;
	_ =	sdelay $0x3  }
0xcb: {  	[tilespmem:$0x67B0] =	vst v35  }
0xcc: {  	v35 =	vld.idx.msk [tilespmem:v61+s3+$0x0], $0xffff  }
0xcd: {  	v62 =	vor.u32 v31, v34;
	_ =	sdelay $0x3  }
0xce: {  	[tilespmem:$0x67C0] =	vst v35  }
0xcf: {  	v35 =	vld.idx.msk [tilespmem:v62+s3+$0x0], $0xffff  }
0xd0: {  	v63 =	vor.u32 v32, v34;
	_ =	sdelay $0x3  }
0xd1: {  	[tilespmem:$0x67D0] =	vst v35  }
0xd2: {  	v35 =	vld.idx.msk [tilespmem:v63+s3+$0x0], $0xffff  }
0xd3: {  	v34 =	vor.u32 v33, v34;
	_ =	sdelay $0x3  }
0xd4: {  	[tilespmem:$0x67E0] =	vst v35  }
0xd5: {  	v34 =	vld.idx.msk [tilespmem:v34+s3+$0x0], $0xffff;
	_ =	sdelay $0x4  }
0xd6: {  	[tilespmem:$0x67F0] =	vst v34  }
0xd7: {  	[tilespmem:s10], [sflag:$0x1] =	stream.indirect.gather [hbm4b:s1+s8], $0x20, s9, s8, $0xb8;
	[tilespmem:$0xE800] =	vst v63  }
0xd8: {  	_ = 	snop  }
0xd9: {  	[tilespmem:s12], [sflag:$0x1] =	stream.indirect.gather [hbm4b:s1+s8], $0x20, s11, s8, $0xb8;
	[tilespmem:$0xE800] =	vst v63  }
0xda: {  	_ = 	snop  }
0xdb: {  	[tilespmem:s14], [sflag:$0x1] =	stream.indirect.gather [hbm4b:s1+s8], $0x20, s13, s8, $0xb8;
	[tilespmem:$0xE800] =	vst v63  }
0xdc: {  	_ = 	snop  }
0xdd: {  	[tilespmem:s16], [sflag:$0x1] =	stream.indirect.gather [hbm4b:s1+s8], $0x20, s15, s8, $0xb8;
	[tilespmem:$0xE800] =	vst v63  }
0xde: {  	_ = 	snop  }
0xdf: {  	[tilespmem:s18], [sflag:$0x1] =	stream.indirect.gather [hbm4b:s1+s8], $0x20, s17, s8, $0xb8;
	[tilespmem:$0xE800] =	vst v63  }
0xe0: {  	_ = 	snop  }
0xe1: {  	[tilespmem:s20], [sflag:$0x1] =	stream.indirect.gather [hbm4b:s1+s8], $0x20, s19, s8, $0xb8;
	[tilespmem:$0xE800] =	vst v63  }
0xe2: {  	_ = 	snop  }
0xe3: {  	[tilespmem:s22], [sflag:$0x1] =	stream.indirect.gather [hbm4b:s1+s8], $0x20, s21, s8, $0xb8;
	[tilespmem:$0xE800] =	vst v63  }
0xe4: {  	_ = 	snop  }
0xe5: {  	[tilespmem:s24], [sflag:$0x1] =	stream.indirect.gather [hbm4b:s1+s8], $0x20, s23, s8, $0xb8;
	[tilespmem:$0xE800] =	vst v63  }
0xe6: {  	_ =	swait.ge [sflag:s25], $0x1000  }
0xe7: {  	[sflag:s25] =	ssyncset.done $0x0  }
0xe8: {  	[sflag:s25] =	ssyncadd.s32 $0xFFFFF000  }
0xe9: {  	_ =	swait.ge [sflag:s25], $0x1000  }
0xea: {  	[sflag:s25] =	ssyncset.done $0x0  }
0xeb: {  	[sflag:s25] =	ssyncadd.s32 $0xFFFFF000  }
0xec: {  	_ =	swait.ge [sflag:s25], $0x1000  }
0xed: {  	[sflag:s25] =	ssyncset.done $0x0  }
0xee: {  	[sflag:s25] =	ssyncadd.s32 $0xFFFFF000  }
0xef: {  	_ =	swait.ge [sflag:s25], $0x1000  }
0xf0: {  	[sflag:s25] =	ssyncset.done $0x0  }
0xf1: {  	[sflag:s25] =	ssyncadd.s32 $0xFFFFF000  }
0xf2: {  	_ =	swait.ge [sflag:s25], $0x1000  }
0xf3: {  	[sflag:s25] =	ssyncset.done $0x0  }
0xf4: {  	[sflag:s25] =	ssyncadd.s32 $0xFFFFF000  }
0xf5: {  	_ =	swait.ge [sflag:s25], $0x1000  }
0xf6: {  	[sflag:s25] =	ssyncset.done $0x0  }
0xf7: {  	[sflag:s25] =	ssyncadd.s32 $0xFFFFF000  }
0xf8: {  	_ =	swait.ge [sflag:s25], $0x1000  }
0xf9: {  	[sflag:s25] =	ssyncset.done $0x0  }
0xfa: {  	[sflag:s25] =	ssyncadd.s32 $0xFFFFF000  }
0xfb: {  	_ =	swait.ge [sflag:s25], $0x1000  }
0xfc: {  	p0 =	sne.s32 s29, $0xC0;
	[sflag:s25] =	ssyncset.done $0x0  }
.Ltmp0:
0xfd: {  	[sflag:s25] =	ssyncadd.s32 $0xFFFFF000;
	(pc) =	sbr.rel @p0 .LBB2_2-.Ltmp0, $4  }
0xfe: {  	[hbm4b:s28+s3] =	stream.linear.scatter [tilespmem:s10], [sflag:$0x2], $0x8000, $0x38;
	[tilespmem:$0xE800] =	vst v63  }
0xff: {  	_ =	swait.ge [sflag:s7], $0x8000  }
0x100: {  	[sflag:s7] =	ssyncset.done $0x0  }
0x101: {  	s29 =	sadd.s32 $0x8, s29;
	s28 =	sadd.s32 $0x1000, s28;
	[sflag:s7] =	ssyncadd.s32 $0xFFFF8000  }
0x102: {  	s26 =	sadd.s32 $0x1, s26  }
0x103: {  	p0 =	sne.s32 s26, s5  }
.Ltmp1:
0x104: {  	_ = 	snop;
	(pc) =	sbr.rel @p0 .LBB2_1-.Ltmp1, $1  }
0x105: {  	_ =	sdelay $0x3  }
0x106: {  	_ =	sfence.sel $0x180000  }
0x107: {  	[bflag:$0x0] =	sbarrier.arrive $0xFFFF  }
0x108: {  	p0 =	sne.s32 s0, $0x0;
	_ =	strace $0x90000047  }
0x109: {  	s0 =	sadd.s32 @!p0 $0x100000, s2;
	[bflag:$0x2] =	sbarrier.arrive $0xFFFF  }
0x10a: {  	[sflag:s0] =	ssyncadd.tile.s32 @!p0 $0x1;
	_ =	shalt  }
.Lfunc_end2:
_tile_overlayer_lowered:
.L_overlay_start_2:
0x10b: {  	(tag) =	ssettag $0x2  }
0x10c: {  	s0 =	rddreg [dreg:$0x0];
	s2 =	stileid.u32  }
0x10d: {  	s1 =	rddreg [dreg:$0x1];
	p0 =	sne.s32 s2, $0x0  }
0x10e: {  	s3 =	rddreg [dreg:$0x2];
	[bflag:$0x3] =	sbarrier.arrive $0xFFFF;
	s2 =	simm.s32 @!p0 $0x1C02  }
0x10f: {  	[timem:s3], [sflag:s2] =	dma.local @!p0 [hbm:s0], s1  }
0x110: {  	s0 =	simm.s32 @!p0 $0x2  }
0x111: {  	_ =	swait.ge @!p0 [sflag:s0], s1  }
0x112: {  	s1 =	ssub.s32 @!p0 $0x0, s1;
	[sflag:s0] =	ssyncset.done @!p0 $0x0  }
0x113: {  	[sflag:s0] =	ssyncadd.s32 @!p0 s1  }
0x114: {  	[bflag:$0x3] =	sbarrier.arrive $0xFFFF  }
0x115: {  	_ =	shalt  }

</sc_bundles>
